<compile_context>
chip_gen: v7x
topology: tpu7x:2x2x1
jax: 0.10.2.dev20260603
libtpu: 0.0.44.dev20260713+nightly
codegen_flags: <defaults>
</compile_context>

<pallas_src>
import functools

import jax
import jax.numpy as jnp
from jax import lax
from jax.experimental import pallas as pl
from jax.experimental.pallas import tpu as pltpu
from jax.experimental.pallas import tpu_sc as plsc

_NUM_FIELDS = 26
_VOCAB1 = 100001
_DIM = 32
_BATCH = 4096

_NC = 2
_NS = 16
_DB = _DIM // 8
_SLABS = _NUM_FIELDS * _DB
_SLABS_PER_SC = _SLABS // _NC
_ROUNDS = _SLABS_PER_SC // 2
_GVEC = _BATCH // 16
_VMAIN = (_VOCAB1 // 128) * 128
_VTAIL = 128
_VCH = 6144
_NBUF = 3
_NFULL = _VMAIN // _VCH
_VREM = _VMAIN - _NFULL * _VCH
_VSUB = _VCH // 8


def _lookup_body(idx_hbm, table_hbm, tail_hbm, out_hbm,
                 slab_sp, oslab_sp, idx_v, row_v, out_v, dsem, isem):
    c = lax.axis_index("c")
    s = lax.axis_index("s")
    grp = s // 8
    sg = s % 8

    def chunk_copy(f, d0, k, buf):
        off = k * _VCH
        return pltpu.make_async_copy(
            table_hbm.at[f, pl.ds(d0, 8), pl.ds(off + sg * _VSUB, _VSUB)],
            slab_sp.at[grp, buf, :, pl.ds(sg * _VSUB, _VSUB)],
            dsem,
        )

    def slab_coords(slab):
        return slab // _DB, pl.multiple_of((slab % _DB) * 8, 8)

    def rem_copy(f, d0, rbuf):
        return pltpu.make_async_copy(
            table_hbm.at[f, pl.ds(d0, 8), pl.ds(_NFULL * _VCH, _VREM)],
            slab_sp.at[grp, rbuf, :, pl.ds(0, _VREM)],
            dsem,
        )

    def tail_copy(f, d0, rbuf):
        return pltpu.make_async_copy(
            tail_hbm.at[f, pl.ds(d0, 8)],
            slab_sp.at[grp, rbuf, :, pl.ds(_VREM, _VTAIL)],
            dsem,
        )

    f0, d00 = slab_coords(c * _SLABS_PER_SC + grp)
    chunk_copy(f0, d00, 0, 0).start()
    chunk_copy(f0, d00, 1, 1).start()

    def round_body(r, carry):
        slab = c * _SLABS_PER_SC + 2 * r + grp
        f, d0 = slab_coords(slab)

        pltpu.sync_copy(idx_hbm.at[f], idx_v)

        for k in range(_NFULL):
            chunk_copy(f, d0, k, k % _NBUF).wait()
            plsc.subcore_barrier()
            if k + 2 < _NFULL:
                chunk_copy(f, d0, k + 2, (k + 2) % _NBUF).start()
            elif k + 2 == _NFULL:
                rbuf = (k + 2) % _NBUF
                @pl.when(sg == 0)
                def _():
                    rem_copy(f, d0, rbuf).start()
                @pl.when(sg == 1)
                def _():
                    tail_copy(f, d0, rbuf).start()
            pltpu.sync_copy(slab_sp.at[grp, k % _NBUF, sg],
                            row_v.at[pl.ds(k * _VCH, _VCH)])
        rbuf = _NFULL % _NBUF
        @pl.when(sg == 0)
        def _():
            rem_copy(f, d0, rbuf).wait()
        @pl.when(sg == 1)
        def _():
            tail_copy(f, d0, rbuf).wait()
        plsc.subcore_barrier()
        pltpu.sync_copy(
            slab_sp.at[grp, rbuf, sg, pl.ds(0, _VREM + _VTAIL)],
            row_v.at[pl.ds(_NFULL * _VCH, _VREM + _VTAIL)])
        plsc.subcore_barrier()

        @pl.when(r + 1 < _ROUNDS)
        def _():
            nf, nd0 = slab_coords(slab + 2)
            chunk_copy(nf, nd0, 0, 0).start()
            chunk_copy(nf, nd0, 1, 1).start()

        def g(rr, carry2):
            for u in range(8):
                out_v[pl.ds(rr * 128 + u * 16, 16)] = plsc.load_gather(
                    row_v, [idx_v[rr, pl.ds(u * 16, 16)]])
            return carry2

        lax.fori_loop(0, 32, g, 0)

        pltpu.sync_copy(out_v, oslab_sp.at[grp, sg])
        plsc.subcore_barrier()

        @pl.when(sg == 0)
        def _():
            pltpu.sync_copy(oslab_sp.at[grp], out_hbm.at[f, pl.ds(d0, 8)])
        plsc.subcore_barrier()
        return carry

    lax.fori_loop(0, _ROUNDS, round_body, 0)


_mesh = plsc.VectorSubcoreMesh(core_axis_name="c", subcore_axis_name="s")

_lookup = functools.partial(
    pl.kernel,
    out_type=jax.ShapeDtypeStruct((_NUM_FIELDS, _DIM, _BATCH), jnp.float32),
    mesh=_mesh,
    scratch_types=[
        pltpu.VMEM_SHARED((2, _NBUF, 8, _VCH), jnp.float32),
        pltpu.VMEM_SHARED((2, 8, _BATCH), jnp.float32),
        pltpu.VMEM((32, 128), jnp.int32),
        pltpu.VMEM((_VMAIN + _VTAIL,), jnp.float32),
        pltpu.VMEM((_BATCH,), jnp.float32),
        pltpu.SemaphoreType.DMA,
        pltpu.SemaphoreType.DMA,
    ],
    compiler_params=pltpu.CompilerParams(needs_layout_passes=False),
)(_lookup_body)


@jax.jit
def kernel(sparse_inputs, tables):
    idx_t = sparse_inputs.T.reshape(_NUM_FIELDS, 32, 128)
    tab_t = jnp.transpose(tables, (0, 2, 1))
    tail = jnp.pad(tab_t[:, :, _VMAIN:], ((0, 0), (0, 0), (0, _VTAIL - (_VOCAB1 - _VMAIN))))
    out = _lookup(idx_t, tab_t, tail)
    return tuple(out[i].T for i in range(_NUM_FIELDS))

# --- scband reference (transcript-rebuilt; emitter-appended) ---
"""Pipeline reference for scband-sparse-embeddings-20375324852357 (READ-ONLY COPY).

The authoritative reference and input builder live on the scoring server;
editing this copy changes nothing except your own understanding.
"""

import jax, jax.numpy as jnp
import numpy as np

NUM_FIELDS = 26
VOCAB = 100000
DIM = 32
BATCH = 4096


def setup_inputs(seed: int = 0) -> dict:
    key = jax.random.key(seed)
    k1, k2 = jax.random.split(key)
    # xavier_uniform per table: bound = sqrt(6 / (fan_in + fan_out)) for a (VOCAB+1, DIM) weight
    a = float(np.sqrt(6.0 / ((VOCAB + 1) + DIM)))
    tables = jax.random.uniform(
        k1, (NUM_FIELDS, VOCAB + 1, DIM), minval=-a, maxval=a, dtype=jnp.float32
    )
    sparse_inputs = jax.random.randint(k2, (BATCH, NUM_FIELDS), 0, VOCAB, dtype=jnp.int32)
    return {"sparse_inputs": sparse_inputs, "tables": tables}


def reference(sparse_inputs, tables):
    # One embedding lookup per sparse field; returns a tuple of (B, DIM) arrays,
    # matching the torch module's list of per-field embeddings.
    return tuple(
        jnp.take(tables[i], sparse_inputs[:, i], axis=0) for i in range(NUM_FIELDS)
    )

if __name__ == "__main__":
    import jax
    _d = setup_inputs()
    print(jax.jit(kernel)(*tuple(_d.values())))

</pallas_src>

<mosaic_0001>
#map = affine_map<(d0, d1) -> (0, 0, 0)>
module attributes {stable_mosaic.version = 14 : i64} {
  func.func @_lookup_body(%arg0: i32, %arg1: i32, %arg2: memref<26x32x128xi32, #tpu.memory_space<hbm>>, %arg3: memref<26x32x100001xf32, #tpu.memory_space<hbm>>, %arg4: memref<26x32x128xf32, #tpu.memory_space<hbm>>, %arg5: memref<26x32x4096xf32, #tpu.memory_space<hbm>>, %arg6: memref<2x3x8x6144xf32, #tpu.memory_space<vmem_shared>>, %arg7: memref<2x8x4096xf32, #tpu.memory_space<vmem_shared>>, %arg8: memref<32x128xi32, #tpu.memory_space<vmem>>, %arg9: memref<100096xf32, #tpu.memory_space<vmem>>, %arg10: memref<4096xf32, #tpu.memory_space<vmem>>, %arg11: memref<!tpu.dma_semaphore, #tpu.memory_space<semaphore_mem>>, %arg12: memref<!tpu.dma_semaphore, #tpu.memory_space<semaphore_mem>>) attributes {dimension_semantics = [#tpu.dimension_semantics<core_parallel>, #tpu.dimension_semantics<subcore_parallel>], iteration_bounds = array<i64: 2, 16>, scalar_prefetch = 0 : i64, scratch_operands = 7 : i64, tpu.core_type = #tpu.core_type<sc_vector_subcore>, window_params = [{transform_indices = #map}, {transform_indices = #map}, {transform_indices = #map}, {transform_indices = #map}]} {
    %jit3A = arith.constant 8 : i32
    %div3A = arith.divsi %arg1, %jit3A : i32
    %sign3A = arith.constant 0 : i32
    %sign3A_0 = arith.cmpi sgt, %arg1, %sign3A : i32
    %sign3A_1 = arith.extui %sign3A_0 : i1 to i32
    %sign3A_2 = arith.constant 0 : i32
    %sign3A_3 = arith.cmpi slt, %arg1, %sign3A_2 : i32
    %sign3A_4 = arith.extui %sign3A_3 : i1 to i32
    %sign3A_5 = arith.subi %sign3A_1, %sign3A_4 : i32
    %sign3A_6 = arith.constant 0 : i32
    %sign3A_7 = arith.cmpi sgt, %jit3A, %sign3A_6 : i32
    %sign3A_8 = arith.extui %sign3A_7 : i1 to i32
    %sign3A_9 = arith.constant 0 : i32
    %sign3A_10 = arith.cmpi slt, %jit3A, %sign3A_9 : i32
    %sign3A_11 = arith.extui %sign3A_10 : i1 to i32
    %sign3A_12 = arith.subi %sign3A_8, %sign3A_11 : i32
    %ne3A = arith.cmpi ne, %sign3A_5, %sign3A_12 : i32
    %rem3A = arith.remsi %arg1, %jit3A : i32
    %ne3A_13 = arith.constant 0 : i32
    %ne3A_14 = arith.cmpi ne, %rem3A, %ne3A_13 : i32
    %and3A = arith.andi %ne3A, %ne3A_14 : i1
    %sub3A = arith.constant 1 : i32
    %sub3A_15 = arith.subi %div3A, %sub3A : i32
    %select_n3A = arith.select %and3A, %sub3A_15, %div3A : i32
    %jit3A_16 = arith.constant 8 : i32
    %eq3A = arith.constant 0 : i32
    %eq3A_17 = arith.cmpi eq, %jit3A_16, %eq3A : i32
    %jit3A_18 = arith.constant 1 : i32
    %select_n3A_19 = arith.select %eq3A_17, %jit3A_18, %jit3A_16 : i32
    %rem3A_20 = arith.remsi %arg1, %select_n3A_19 : i32
    %ne3A_21 = arith.constant 0 : i32
    %ne3A_22 = arith.cmpi ne, %rem3A_20, %ne3A_21 : i32
    %lt3A = arith.constant 0 : i32
    %lt3A_23 = arith.cmpi slt, %rem3A_20, %lt3A : i32
    %lt3A_24 = arith.constant 0 : i32
    %lt3A_25 = arith.cmpi slt, %select_n3A_19, %lt3A_24 : i32
    %ne3A_26 = arith.xori %lt3A_23, %lt3A_25 : i1
    %and3A_27 = arith.andi %ne3A_26, %ne3A_22 : i1
    %add3A = arith.addi %rem3A_20, %select_n3A_19 : i32
    %select_n3A_28 = arith.select %and3A_27, %add3A, %rem3A_20 : i32
    %mul3A = arith.constant 52 : i32
    %mul3A_29 = arith.muli %arg0, %mul3A : i32
    %add3A_30 = arith.addi %mul3A_29, %select_n3A : i32
    %jit3A_31 = arith.constant 4 : i32
    %div3A_32 = arith.divsi %add3A_30, %jit3A_31 : i32
    %sign3A_33 = arith.constant 0 : i32
    %sign3A_34 = arith.cmpi sgt, %add3A_30, %sign3A_33 : i32
    %sign3A_35 = arith.extui %sign3A_34 : i1 to i32
    %sign3A_36 = arith.constant 0 : i32
    %sign3A_37 = arith.cmpi slt, %add3A_30, %sign3A_36 : i32
    %sign3A_38 = arith.extui %sign3A_37 : i1 to i32
    %sign3A_39 = arith.subi %sign3A_35, %sign3A_38 : i32
    %sign3A_40 = arith.constant 0 : i32
    %sign3A_41 = arith.cmpi sgt, %jit3A_31, %sign3A_40 : i32
    %sign3A_42 = arith.extui %sign3A_41 : i1 to i32
    %sign3A_43 = arith.constant 0 : i32
    %sign3A_44 = arith.cmpi slt, %jit3A_31, %sign3A_43 : i32
    %sign3A_45 = arith.extui %sign3A_44 : i1 to i32
    %sign3A_46 = arith.subi %sign3A_42, %sign3A_45 : i32
    %ne3A_47 = arith.cmpi ne, %sign3A_39, %sign3A_46 : i32
    %rem3A_48 = arith.remsi %add3A_30, %jit3A_31 : i32
    %ne3A_49 = arith.constant 0 : i32
    %ne3A_50 = arith.cmpi ne, %rem3A_48, %ne3A_49 : i32
    %and3A_51 = arith.andi %ne3A_47, %ne3A_50 : i1
    %sub3A_52 = arith.constant 1 : i32
    %sub3A_53 = arith.subi %div3A_32, %sub3A_52 : i32
    %select_n3A_54 = arith.select %and3A_51, %sub3A_53, %div3A_32 : i32
    %jit3A_55 = arith.constant 4 : i32
    %eq3A_56 = arith.constant 0 : i32
    %eq3A_57 = arith.cmpi eq, %jit3A_55, %eq3A_56 : i32
    %jit3A_58 = arith.constant 1 : i32
    %select_n3A_59 = arith.select %eq3A_57, %jit3A_58, %jit3A_55 : i32
    %rem3A_60 = arith.remsi %add3A_30, %select_n3A_59 : i32
    %ne3A_61 = arith.constant 0 : i32
    %ne3A_62 = arith.cmpi ne, %rem3A_60, %ne3A_61 : i32
    %lt3A_63 = arith.constant 0 : i32
    %lt3A_64 = arith.cmpi slt, %rem3A_60, %lt3A_63 : i32
    %lt3A_65 = arith.constant 0 : i32
    %lt3A_66 = arith.cmpi slt, %select_n3A_59, %lt3A_65 : i32
    %ne3A_67 = arith.xori %lt3A_64, %lt3A_66 : i1
    %and3A_68 = arith.andi %ne3A_67, %ne3A_62 : i1
    %add3A_69 = arith.addi %rem3A_60, %select_n3A_59 : i32
    %select_n3A_70 = arith.select %and3A_68, %add3A_69, %rem3A_60 : i32
    %mul3A_71 = arith.constant 8 : i32
    %mul3A_72 = arith.muli %select_n3A_70, %mul3A_71 : i32
    %multiple_of3A = tpu.assume_multiple %mul3A_72, 8 : i32
    %mul3A_73 = arith.constant 768 : i32
    %mul3A_74 = arith.muli %select_n3A_28, %mul3A_73 : i32
    %add3A_75 = arith.constant 0 : i32
    %add3A_76 = arith.addi %add3A_75, %mul3A_74 : i32
    %mul3A_77 = arith.constant 768 : i32
    %mul3A_78 = arith.muli %select_n3A_28, %mul3A_77 : i32
    %dma_start3A = arith.constant 0 : i32
    %dma_start3A_79 = arith.constant 0 : i32
    %dma_start3A_80 = tpu.memref_slice %arg6[%select_n3A, %dma_start3A, %dma_start3A_79, %mul3A_78] : memref<2x3x8x6144xf32, #tpu.memory_space<vmem_shared>> -> memref<1x1x8x768xf32, #tpu.memory_space<vmem_shared>>
    %dma_start3A_81 = tpu.memref_squeeze %dma_start3A_80 : memref<1x1x8x768xf32, #tpu.memory_space<vmem_shared>> -> memref<8x768xf32, #tpu.memory_space<vmem_shared>>
    %dma_start3A_82 = tpu.memref_slice %arg3[%select_n3A_54, %multiple_of3A, %add3A_76] : memref<26x32x100001xf32, #tpu.memory_space<hbm>> -> memref<1x8x768xf32, #tpu.memory_space<hbm>>
    %dma_start3A_83 = tpu.memref_squeeze %dma_start3A_82 : memref<1x8x768xf32, #tpu.memory_space<hbm>> -> memref<8x768xf32, #tpu.memory_space<hbm>>
    tpu.enqueue_dma source(%dma_start3A_83 : memref<8x768xf32, #tpu.memory_space<hbm>>) target(%dma_start3A_81 : memref<8x768xf32, #tpu.memory_space<vmem_shared>>) target_semaphore(%arg11 : memref<!tpu.dma_semaphore, #tpu.memory_space<semaphore_mem>>)
    %mul3A_84 = arith.constant 768 : i32
    %mul3A_85 = arith.muli %select_n3A_28, %mul3A_84 : i32
    %add3A_86 = arith.constant 6144 : i32
    %add3A_87 = arith.addi %add3A_86, %mul3A_85 : i32
    %mul3A_88 = arith.constant 768 : i32
    %mul3A_89 = arith.muli %select_n3A_28, %mul3A_88 : i32
    %dma_start3A_90 = arith.constant 1 : i32
    %dma_start3A_91 = arith.constant 0 : i32
    %dma_start3A_92 = tpu.memref_slice %arg6[%select_n3A, %dma_start3A_90, %dma_start3A_91, %mul3A_89] : memref<2x3x8x6144xf32, #tpu.memory_space<vmem_shared>> -> memref<1x1x8x768xf32, #tpu.memory_space<vmem_shared>>
    %dma_start3A_93 = tpu.memref_squeeze %dma_start3A_92 : memref<1x1x8x768xf32, #tpu.memory_space<vmem_shared>> -> memref<8x768xf32, #tpu.memory_space<vmem_shared>>
    %dma_start3A_94 = tpu.memref_slice %arg3[%select_n3A_54, %multiple_of3A, %add3A_87] : memref<26x32x100001xf32, #tpu.memory_space<hbm>> -> memref<1x8x768xf32, #tpu.memory_space<hbm>>
    %dma_start3A_95 = tpu.memref_squeeze %dma_start3A_94 : memref<1x8x768xf32, #tpu.memory_space<hbm>> -> memref<8x768xf32, #tpu.memory_space<hbm>>
    tpu.enqueue_dma source(%dma_start3A_95 : memref<8x768xf32, #tpu.memory_space<hbm>>) target(%dma_start3A_93 : memref<8x768xf32, #tpu.memory_space<vmem_shared>>) target_semaphore(%arg11 : memref<!tpu.dma_semaphore, #tpu.memory_space<semaphore_mem>>)
    %scan3A = arith.constant 0 : i32
    %scan3A_96 = arith.constant 0 : i32
    %scan3A_97 = arith.constant 26 : i32
    %scan3A_98 = arith.addi %scan3A_96, %scan3A_97 : i32
    %scan3A_99 = arith.constant 1 : i32
    scf.for %scan3A_101 = %scan3A_96 to %scan3A_98 step %scan3A_99  : i32 {
      %mul3A_102 = arith.constant 52 : i32
      %mul3A_103 = arith.muli %arg0, %mul3A_102 : i32
      %mul3A_104 = arith.constant 2 : i32
      %mul3A_105 = arith.muli %mul3A_104, %scan3A_101 : i32
      %add3A_106 = arith.addi %mul3A_103, %mul3A_105 : i32
      %add3A_107 = arith.addi %add3A_106, %select_n3A : i32
      %jit3A_108 = arith.constant 4 : i32
      %div3A_109 = arith.divsi %add3A_107, %jit3A_108 : i32
      %sign3A_110 = arith.constant 0 : i32
      %sign3A_111 = arith.cmpi sgt, %add3A_107, %sign3A_110 : i32
      %sign3A_112 = arith.extui %sign3A_111 : i1 to i32
      %sign3A_113 = arith.constant 0 : i32
      %sign3A_114 = arith.cmpi slt, %add3A_107, %sign3A_113 : i32
      %sign3A_115 = arith.extui %sign3A_114 : i1 to i32
      %sign3A_116 = arith.subi %sign3A_112, %sign3A_115 : i32
      %sign3A_117 = arith.constant 0 : i32
      %sign3A_118 = arith.cmpi sgt, %jit3A_108, %sign3A_117 : i32
      %sign3A_119 = arith.extui %sign3A_118 : i1 to i32
      %sign3A_120 = arith.constant 0 : i32
      %sign3A_121 = arith.cmpi slt, %jit3A_108, %sign3A_120 : i32
      %sign3A_122 = arith.extui %sign3A_121 : i1 to i32
      %sign3A_123 = arith.subi %sign3A_119, %sign3A_122 : i32
      %ne3A_124 = arith.cmpi ne, %sign3A_116, %sign3A_123 : i32
      %rem3A_125 = arith.remsi %add3A_107, %jit3A_108 : i32
      %ne3A_126 = arith.constant 0 : i32
      %ne3A_127 = arith.cmpi ne, %rem3A_125, %ne3A_126 : i32
      %and3A_128 = arith.andi %ne3A_124, %ne3A_127 : i1
      %sub3A_129 = arith.constant 1 : i32
      %sub3A_130 = arith.subi %div3A_109, %sub3A_129 : i32
      %select_n3A_131 = arith.select %and3A_128, %sub3A_130, %div3A_109 : i32
      %jit3A_132 = arith.constant 4 : i32
      %eq3A_133 = arith.constant 0 : i32
      %eq3A_134 = arith.cmpi eq, %jit3A_132, %eq3A_133 : i32
      %jit3A_135 = arith.constant 1 : i32
      %select_n3A_136 = arith.select %eq3A_134, %jit3A_135, %jit3A_132 : i32
      %rem3A_137 = arith.remsi %add3A_107, %select_n3A_136 : i32
      %ne3A_138 = arith.constant 0 : i32
      %ne3A_139 = arith.cmpi ne, %rem3A_137, %ne3A_138 : i32
      %lt3A_140 = arith.constant 0 : i32
      %lt3A_141 = arith.cmpi slt, %rem3A_137, %lt3A_140 : i32
      %lt3A_142 = arith.constant 0 : i32
      %lt3A_143 = arith.cmpi slt, %select_n3A_136, %lt3A_142 : i32
      %ne3A_144 = arith.xori %lt3A_141, %lt3A_143 : i1
      %and3A_145 = arith.andi %ne3A_144, %ne3A_139 : i1
      %add3A_146 = arith.addi %rem3A_137, %select_n3A_136 : i32
      %select_n3A_147 = arith.select %and3A_145, %add3A_146, %rem3A_137 : i32
      %mul3A_148 = arith.constant 8 : i32
      %mul3A_149 = arith.muli %select_n3A_147, %mul3A_148 : i32
      %multiple_of3A_150 = tpu.assume_multiple %mul3A_149, 8 : i32
      "tpu.region"() ({
        %run_scoped3A_581 = tpu.sem_alloc : memref<!tpu.dma_semaphore, #tpu.memory_space<semaphore_mem>>
        %dma_start3A_582 = arith.constant 0 : i32
        %dma_start3A_583 = arith.constant 0 : i32
        %dma_start3A_584 = tpu.memref_slice %arg2[%select_n3A_131, %dma_start3A_582, %dma_start3A_583] : memref<26x32x128xi32, #tpu.memory_space<hbm>> -> memref<1x32x128xi32, #tpu.memory_space<hbm>>
        %dma_start3A_585 = tpu.memref_squeeze %dma_start3A_584 : memref<1x32x128xi32, #tpu.memory_space<hbm>> -> memref<32x128xi32, #tpu.memory_space<hbm>>
        %dma_start3A_586 = arith.constant 0 : i32
        %dma_start3A_587 = arith.constant 0 : i32
        %dma_start3A_588 = tpu.memref_slice %arg2[%select_n3A_131, %dma_start3A_586, %dma_start3A_587] : memref<26x32x128xi32, #tpu.memory_space<hbm>> -> memref<1x32x128xi32, #tpu.memory_space<hbm>>
        %dma_start3A_589 = tpu.memref_squeeze %dma_start3A_588 : memref<1x32x128xi32, #tpu.memory_space<hbm>> -> memref<32x128xi32, #tpu.memory_space<hbm>>
        tpu.enqueue_dma source(%dma_start3A_589 : memref<32x128xi32, #tpu.memory_space<hbm>>) target(%arg8 : memref<32x128xi32, #tpu.memory_space<vmem>>) target_semaphore(%run_scoped3A_581 : memref<!tpu.dma_semaphore, #tpu.memory_space<semaphore_mem>>)
        %dma_wait3A_590 = arith.constant 0 : i32
        %dma_wait3A_591 = arith.constant 0 : i32
        %dma_wait3A_592 = tpu.memref_slice %arg2[%select_n3A_131, %dma_wait3A_590, %dma_wait3A_591] : memref<26x32x128xi32, #tpu.memory_space<hbm>> -> memref<1x32x128xi32, #tpu.memory_space<hbm>>
        %dma_wait3A_593 = tpu.memref_squeeze %dma_wait3A_592 : memref<1x32x128xi32, #tpu.memory_space<hbm>> -> memref<32x128xi32, #tpu.memory_space<hbm>>
        %dma_wait3A_594 = arith.constant 0 : i32
        %dma_wait3A_595 = arith.constant 0 : i32
        %dma_wait3A_596 = tpu.memref_slice %arg2[%select_n3A_131, %dma_wait3A_594, %dma_wait3A_595] : memref<26x32x128xi32, #tpu.memory_space<hbm>> -> memref<1x32x128xi32, #tpu.memory_space<hbm>>
        %dma_wait3A_597 = tpu.memref_squeeze %dma_wait3A_596 : memref<1x32x128xi32, #tpu.memory_space<hbm>> -> memref<32x128xi32, #tpu.memory_space<hbm>>
        tpu.wait_dma2 semaphore(%run_scoped3A_581 : memref<!tpu.dma_semaphore, #tpu.memory_space<semaphore_mem>>) src(%dma_wait3A_597 : memref<32x128xi32, #tpu.memory_space<hbm>>) dst(%arg8 : memref<32x128xi32, #tpu.memory_space<vmem>>)
        tpu.yield
      }) : () -> ()
      %mul3A_151 = arith.constant 768 : i32
      %mul3A_152 = arith.muli %select_n3A_28, %mul3A_151 : i32
      %add3A_153 = arith.constant 0 : i32
      %add3A_154 = arith.addi %add3A_153, %mul3A_152 : i32
      %mul3A_155 = arith.constant 768 : i32
      %mul3A_156 = arith.muli %select_n3A_28, %mul3A_155 : i32
      %dma_wait3A = arith.constant 0 : i32
      %dma_wait3A_157 = arith.constant 0 : i32
      %dma_wait3A_158 = tpu.memref_slice %arg6[%select_n3A, %dma_wait3A, %dma_wait3A_157, %mul3A_156] : memref<2x3x8x6144xf32, #tpu.memory_space<vmem_shared>> -> memref<1x1x8x768xf32, #tpu.memory_space<vmem_shared>>
      %dma_wait3A_159 = tpu.memref_squeeze %dma_wait3A_158 : memref<1x1x8x768xf32, #tpu.memory_space<vmem_shared>> -> memref<8x768xf32, #tpu.memory_space<vmem_shared>>
      %dma_wait3A_160 = tpu.memref_slice %arg3[%select_n3A_131, %multiple_of3A_150, %add3A_154] : memref<26x32x100001xf32, #tpu.memory_space<hbm>> -> memref<1x8x768xf32, #tpu.memory_space<hbm>>
      %dma_wait3A_161 = tpu.memref_squeeze %dma_wait3A_160 : memref<1x8x768xf32, #tpu.memory_space<hbm>> -> memref<8x768xf32, #tpu.memory_space<hbm>>
      tpu.wait_dma2 semaphore(%arg11 : memref<!tpu.dma_semaphore, #tpu.memory_space<semaphore_mem>>) src(%dma_wait3A_161 : memref<8x768xf32, #tpu.memory_space<hbm>>) dst(%dma_wait3A_159 : memref<8x768xf32, #tpu.memory_space<vmem_shared>>)
      %barrier3A = arith.constant 0 : index
      tpu.barrier barrier_id(%barrier3A)
      %mul3A_162 = arith.constant 768 : i32
      %mul3A_163 = arith.muli %select_n3A_28, %mul3A_162 : i32
      %add3A_164 = arith.constant 12288 : i32
      %add3A_165 = arith.addi %add3A_164, %mul3A_163 : i32
      %mul3A_166 = arith.constant 768 : i32
      %mul3A_167 = arith.muli %select_n3A_28, %mul3A_166 : i32
      %dma_start3A_168 = arith.constant 2 : i32
      %dma_start3A_169 = arith.constant 0 : i32
      %dma_start3A_170 = tpu.memref_slice %arg6[%select_n3A, %dma_start3A_168, %dma_start3A_169, %mul3A_167] : memref<2x3x8x6144xf32, #tpu.memory_space<vmem_shared>> -> memref<1x1x8x768xf32, #tpu.memory_space<vmem_shared>>
      %dma_start3A_171 = tpu.memref_squeeze %dma_start3A_170 : memref<1x1x8x768xf32, #tpu.memory_space<vmem_shared>> -> memref<8x768xf32, #tpu.memory_space<vmem_shared>>
      %dma_start3A_172 = tpu.memref_slice %arg3[%select_n3A_131, %multiple_of3A_150, %add3A_165] : memref<26x32x100001xf32, #tpu.memory_space<hbm>> -> memref<1x8x768xf32, #tpu.memory_space<hbm>>
      %dma_start3A_173 = tpu.memref_squeeze %dma_start3A_172 : memref<1x8x768xf32, #tpu.memory_space<hbm>> -> memref<8x768xf32, #tpu.memory_space<hbm>>
      tpu.enqueue_dma source(%dma_start3A_173 : memref<8x768xf32, #tpu.memory_space<hbm>>) target(%dma_start3A_171 : memref<8x768xf32, #tpu.memory_space<vmem_shared>>) target_semaphore(%arg11 : memref<!tpu.dma_semaphore, #tpu.memory_space<semaphore_mem>>)
      %run_scoped3A = arith.constant 0 : i32
      "tpu.region"() ({
        %run_scoped3A_581 = tpu.sem_alloc : memref<!tpu.dma_semaphore, #tpu.memory_space<semaphore_mem>>
        %dma_start3A_582 = arith.constant 0 : i32
        %dma_start3A_583 = tpu.memref_slice %arg9[%dma_start3A_582] : memref<100096xf32, #tpu.memory_space<vmem>> -> memref<6144xf32, #tpu.memory_space<vmem>>
        %dma_start3A_584 = arith.constant 0 : i32
        %dma_start3A_585 = tpu.memref_slice %arg6[%select_n3A, %run_scoped3A, %select_n3A_28, %dma_start3A_584] : memref<2x3x8x6144xf32, #tpu.memory_space<vmem_shared>> -> memref<1x1x1x6144xf32, #tpu.memory_space<vmem_shared>>
        %dma_start3A_586 = tpu.memref_squeeze %dma_start3A_585 : memref<1x1x1x6144xf32, #tpu.memory_space<vmem_shared>> -> memref<6144xf32, #tpu.memory_space<vmem_shared>>
        %dma_start3A_587 = arith.constant 0 : i32
        %dma_start3A_588 = tpu.memref_slice %arg9[%dma_start3A_587] : memref<100096xf32, #tpu.memory_space<vmem>> -> memref<6144xf32, #tpu.memory_space<vmem>>
        %dma_start3A_589 = arith.constant 0 : i32
        %dma_start3A_590 = tpu.memref_slice %arg6[%select_n3A, %run_scoped3A, %select_n3A_28, %dma_start3A_589] : memref<2x3x8x6144xf32, #tpu.memory_space<vmem_shared>> -> memref<1x1x1x6144xf32, #tpu.memory_space<vmem_shared>>
        %dma_start3A_591 = tpu.memref_squeeze %dma_start3A_590 : memref<1x1x1x6144xf32, #tpu.memory_space<vmem_shared>> -> memref<6144xf32, #tpu.memory_space<vmem_shared>>
        tpu.enqueue_dma source(%dma_start3A_591 : memref<6144xf32, #tpu.memory_space<vmem_shared>>) target(%dma_start3A_588 : memref<6144xf32, #tpu.memory_space<vmem>>) target_semaphore(%run_scoped3A_581 : memref<!tpu.dma_semaphore, #tpu.memory_space<semaphore_mem>>)
        %dma_wait3A_592 = arith.constant 0 : i32
        %dma_wait3A_593 = tpu.memref_slice %arg9[%dma_wait3A_592] : memref<100096xf32, #tpu.memory_space<vmem>> -> memref<6144xf32, #tpu.memory_space<vmem>>
        %dma_wait3A_594 = arith.constant 0 : i32
        %dma_wait3A_595 = tpu.memref_slice %arg6[%select_n3A, %run_scoped3A, %select_n3A_28, %dma_wait3A_594] : memref<2x3x8x6144xf32, #tpu.memory_space<vmem_shared>> -> memref<1x1x1x6144xf32, #tpu.memory_space<vmem_shared>>
        %dma_wait3A_596 = tpu.memref_squeeze %dma_wait3A_595 : memref<1x1x1x6144xf32, #tpu.memory_space<vmem_shared>> -> memref<6144xf32, #tpu.memory_space<vmem_shared>>
        %dma_wait3A_597 = arith.constant 0 : i32
        %dma_wait3A_598 = tpu.memref_slice %arg9[%dma_wait3A_597] : memref<100096xf32, #tpu.memory_space<vmem>> -> memref<6144xf32, #tpu.memory_space<vmem>>
        %dma_wait3A_599 = arith.constant 0 : i32
        %dma_wait3A_600 = tpu.memref_slice %arg6[%select_n3A, %run_scoped3A, %select_n3A_28, %dma_wait3A_599] : memref<2x3x8x6144xf32, #tpu.memory_space<vmem_shared>> -> memref<1x1x1x6144xf32, #tpu.memory_space<vmem_shared>>
        %dma_wait3A_601 = tpu.memref_squeeze %dma_wait3A_600 : memref<1x1x1x6144xf32, #tpu.memory_space<vmem_shared>> -> memref<6144xf32, #tpu.memory_space<vmem_shared>>
        tpu.wait_dma2 semaphore(%run_scoped3A_581 : memref<!tpu.dma_semaphore, #tpu.memory_space<semaphore_mem>>) src(%dma_wait3A_601 : memref<6144xf32, #tpu.memory_space<vmem_shared>>) dst(%dma_wait3A_598 : memref<6144xf32, #tpu.memory_space<vmem>>)
        tpu.yield
      }) : () -> ()
      %mul3A_174 = arith.constant 768 : i32
      %mul3A_175 = arith.muli %select_n3A_28, %mul3A_174 : i32
      %add3A_176 = arith.constant 6144 : i32
      %add3A_177 = arith.addi %add3A_176, %mul3A_175 : i32
      %mul3A_178 = arith.constant 768 : i32
      %mul3A_179 = arith.muli %select_n3A_28, %mul3A_178 : i32
      %dma_wait3A_180 = arith.constant 1 : i32
      %dma_wait3A_181 = arith.constant 0 : i32
      %dma_wait3A_182 = tpu.memref_slice %arg6[%select_n3A, %dma_wait3A_180, %dma_wait3A_181, %mul3A_179] : memref<2x3x8x6144xf32, #tpu.memory_space<vmem_shared>> -> memref<1x1x8x768xf32, #tpu.memory_space<vmem_shared>>
      %dma_wait3A_183 = tpu.memref_squeeze %dma_wait3A_182 : memref<1x1x8x768xf32, #tpu.memory_space<vmem_shared>> -> memref<8x768xf32, #tpu.memory_space<vmem_shared>>
      %dma_wait3A_184 = tpu.memref_slice %arg3[%select_n3A_131, %multiple_of3A_150, %add3A_177] : memref<26x32x100001xf32, #tpu.memory_space<hbm>> -> memref<1x8x768xf32, #tpu.memory_space<hbm>>
      %dma_wait3A_185 = tpu.memref_squeeze %dma_wait3A_184 : memref<1x8x768xf32, #tpu.memory_space<hbm>> -> memref<8x768xf32, #tpu.memory_space<hbm>>
      tpu.wait_dma2 semaphore(%arg11 : memref<!tpu.dma_semaphore, #tpu.memory_space<semaphore_mem>>) src(%dma_wait3A_185 : memref<8x768xf32, #tpu.memory_space<hbm>>) dst(%dma_wait3A_183 : memref<8x768xf32, #tpu.memory_space<vmem_shared>>)
      %barrier3A_186 = arith.constant 0 : index
      tpu.barrier barrier_id(%barrier3A_186)
      %mul3A_187 = arith.constant 768 : i32
      %mul3A_188 = arith.muli %select_n3A_28, %mul3A_187 : i32
      %add3A_189 = arith.constant 18432 : i32
      %add3A_190 = arith.addi %add3A_189, %mul3A_188 : i32
      %mul3A_191 = arith.constant 768 : i32
      %mul3A_192 = arith.muli %select_n3A_28, %mul3A_191 : i32
      %dma_start3A_193 = arith.constant 0 : i32
      %dma_start3A_194 = arith.constant 0 : i32
      %dma_start3A_195 = tpu.memref_slice %arg6[%select_n3A, %dma_start3A_193, %dma_start3A_194, %mul3A_192] : memref<2x3x8x6144xf32, #tpu.memory_space<vmem_shared>> -> memref<1x1x8x768xf32, #tpu.memory_space<vmem_shared>>
      %dma_start3A_196 = tpu.memref_squeeze %dma_start3A_195 : memref<1x1x8x768xf32, #tpu.memory_space<vmem_shared>> -> memref<8x768xf32, #tpu.memory_space<vmem_shared>>
      %dma_start3A_197 = tpu.memref_slice %arg3[%select_n3A_131, %multiple_of3A_150, %add3A_190] : memref<26x32x100001xf32, #tpu.memory_space<hbm>> -> memref<1x8x768xf32, #tpu.memory_space<hbm>>
      %dma_start3A_198 = tpu.memref_squeeze %dma_start3A_197 : memref<1x8x768xf32, #tpu.memory_space<hbm>> -> memref<8x768xf32, #tpu.memory_space<hbm>>
      tpu.enqueue_dma source(%dma_start3A_198 : memref<8x768xf32, #tpu.memory_space<hbm>>) target(%dma_start3A_196 : memref<8x768xf32, #tpu.memory_space<vmem_shared>>) target_semaphore(%arg11 : memref<!tpu.dma_semaphore, #tpu.memory_space<semaphore_mem>>)
      %run_scoped3A_199 = arith.constant 1 : i32
      "tpu.region"() ({
        %run_scoped3A_581 = tpu.sem_alloc : memref<!tpu.dma_semaphore, #tpu.memory_space<semaphore_mem>>
        %dma_start3A_582 = arith.constant 6144 : i32
        %dma_start3A_583 = tpu.memref_slice %arg9[%dma_start3A_582] : memref<100096xf32, #tpu.memory_space<vmem>> -> memref<6144xf32, #tpu.memory_space<vmem>>
        %dma_start3A_584 = arith.constant 0 : i32
        %dma_start3A_585 = tpu.memref_slice %arg6[%select_n3A, %run_scoped3A_199, %select_n3A_28, %dma_start3A_584] : memref<2x3x8x6144xf32, #tpu.memory_space<vmem_shared>> -> memref<1x1x1x6144xf32, #tpu.memory_space<vmem_shared>>
        %dma_start3A_586 = tpu.memref_squeeze %dma_start3A_585 : memref<1x1x1x6144xf32, #tpu.memory_space<vmem_shared>> -> memref<6144xf32, #tpu.memory_space<vmem_shared>>
        %dma_start3A_587 = arith.constant 6144 : i32
        %dma_start3A_588 = tpu.memref_slice %arg9[%dma_start3A_587] : memref<100096xf32, #tpu.memory_space<vmem>> -> memref<6144xf32, #tpu.memory_space<vmem>>
        %dma_start3A_589 = arith.constant 0 : i32
        %dma_start3A_590 = tpu.memref_slice %arg6[%select_n3A, %run_scoped3A_199, %select_n3A_28, %dma_start3A_589] : memref<2x3x8x6144xf32, #tpu.memory_space<vmem_shared>> -> memref<1x1x1x6144xf32, #tpu.memory_space<vmem_shared>>
        %dma_start3A_591 = tpu.memref_squeeze %dma_start3A_590 : memref<1x1x1x6144xf32, #tpu.memory_space<vmem_shared>> -> memref<6144xf32, #tpu.memory_space<vmem_shared>>
        tpu.enqueue_dma source(%dma_start3A_591 : memref<6144xf32, #tpu.memory_space<vmem_shared>>) target(%dma_start3A_588 : memref<6144xf32, #tpu.memory_space<vmem>>) target_semaphore(%run_scoped3A_581 : memref<!tpu.dma_semaphore, #tpu.memory_space<semaphore_mem>>)
        %dma_wait3A_592 = arith.constant 6144 : i32
        %dma_wait3A_593 = tpu.memref_slice %arg9[%dma_wait3A_592] : memref<100096xf32, #tpu.memory_space<vmem>> -> memref<6144xf32, #tpu.memory_space<vmem>>
        %dma_wait3A_594 = arith.constant 0 : i32
        %dma_wait3A_595 = tpu.memref_slice %arg6[%select_n3A, %run_scoped3A_199, %select_n3A_28, %dma_wait3A_594] : memref<2x3x8x6144xf32, #tpu.memory_space<vmem_shared>> -> memref<1x1x1x6144xf32, #tpu.memory_space<vmem_shared>>
        %dma_wait3A_596 = tpu.memref_squeeze %dma_wait3A_595 : memref<1x1x1x6144xf32, #tpu.memory_space<vmem_shared>> -> memref<6144xf32, #tpu.memory_space<vmem_shared>>
        %dma_wait3A_597 = arith.constant 6144 : i32
        %dma_wait3A_598 = tpu.memref_slice %arg9[%dma_wait3A_597] : memref<100096xf32, #tpu.memory_space<vmem>> -> memref<6144xf32, #tpu.memory_space<vmem>>
        %dma_wait3A_599 = arith.constant 0 : i32
        %dma_wait3A_600 = tpu.memref_slice %arg6[%select_n3A, %run_scoped3A_199, %select_n3A_28, %dma_wait3A_599] : memref<2x3x8x6144xf32, #tpu.memory_space<vmem_shared>> -> memref<1x1x1x6144xf32, #tpu.memory_space<vmem_shared>>
        %dma_wait3A_601 = tpu.memref_squeeze %dma_wait3A_600 : memref<1x1x1x6144xf32, #tpu.memory_space<vmem_shared>> -> memref<6144xf32, #tpu.memory_space<vmem_shared>>
        tpu.wait_dma2 semaphore(%run_scoped3A_581 : memref<!tpu.dma_semaphore, #tpu.memory_space<semaphore_mem>>) src(%dma_wait3A_601 : memref<6144xf32, #tpu.memory_space<vmem_shared>>) dst(%dma_wait3A_598 : memref<6144xf32, #tpu.memory_space<vmem>>)
        tpu.yield
      }) : () -> ()
      %mul3A_200 = arith.constant 768 : i32
      %mul3A_201 = arith.muli %select_n3A_28, %mul3A_200 : i32
      %add3A_202 = arith.constant 12288 : i32
      %add3A_203 = arith.addi %add3A_202, %mul3A_201 : i32
      %mul3A_204 = arith.constant 768 : i32
      %mul3A_205 = arith.muli %select_n3A_28, %mul3A_204 : i32
      %dma_wait3A_206 = arith.constant 2 : i32
      %dma_wait3A_207 = arith.constant 0 : i32
      %dma_wait3A_208 = tpu.memref_slice %arg6[%select_n3A, %dma_wait3A_206, %dma_wait3A_207, %mul3A_205] : memref<2x3x8x6144xf32, #tpu.memory_space<vmem_shared>> -> memref<1x1x8x768xf32, #tpu.memory_space<vmem_shared>>
      %dma_wait3A_209 = tpu.memref_squeeze %dma_wait3A_208 : memref<1x1x8x768xf32, #tpu.memory_space<vmem_shared>> -> memref<8x768xf32, #tpu.memory_space<vmem_shared>>
      %dma_wait3A_210 = tpu.memref_slice %arg3[%select_n3A_131, %multiple_of3A_150, %add3A_203] : memref<26x32x100001xf32, #tpu.memory_space<hbm>> -> memref<1x8x768xf32, #tpu.memory_space<hbm>>
      %dma_wait3A_211 = tpu.memref_squeeze %dma_wait3A_210 : memref<1x8x768xf32, #tpu.memory_space<hbm>> -> memref<8x768xf32, #tpu.memory_space<hbm>>
      tpu.wait_dma2 semaphore(%arg11 : memref<!tpu.dma_semaphore, #tpu.memory_space<semaphore_mem>>) src(%dma_wait3A_211 : memref<8x768xf32, #tpu.memory_space<hbm>>) dst(%dma_wait3A_209 : memref<8x768xf32, #tpu.memory_space<vmem_shared>>)
      %barrier3A_212 = arith.constant 0 : index
      tpu.barrier barrier_id(%barrier3A_212)
      %mul3A_213 = arith.constant 768 : i32
      %mul3A_214 = arith.muli %select_n3A_28, %mul3A_213 : i32
      %add3A_215 = arith.constant 24576 : i32
      %add3A_216 = arith.addi %add3A_215, %mul3A_214 : i32
      %mul3A_217 = arith.constant 768 : i32
      %mul3A_218 = arith.muli %select_n3A_28, %mul3A_217 : i32
      %dma_start3A_219 = arith.constant 1 : i32
      %dma_start3A_220 = arith.constant 0 : i32
      %dma_start3A_221 = tpu.memref_slice %arg6[%select_n3A, %dma_start3A_219, %dma_start3A_220, %mul3A_218] : memref<2x3x8x6144xf32, #tpu.memory_space<vmem_shared>> -> memref<1x1x8x768xf32, #tpu.memory_space<vmem_shared>>
      %dma_start3A_222 = tpu.memref_squeeze %dma_start3A_221 : memref<1x1x8x768xf32, #tpu.memory_space<vmem_shared>> -> memref<8x768xf32, #tpu.memory_space<vmem_shared>>
      %dma_start3A_223 = tpu.memref_slice %arg3[%select_n3A_131, %multiple_of3A_150, %add3A_216] : memref<26x32x100001xf32, #tpu.memory_space<hbm>> -> memref<1x8x768xf32, #tpu.memory_space<hbm>>
      %dma_start3A_224 = tpu.memref_squeeze %dma_start3A_223 : memref<1x8x768xf32, #tpu.memory_space<hbm>> -> memref<8x768xf32, #tpu.memory_space<hbm>>
      tpu.enqueue_dma source(%dma_start3A_224 : memref<8x768xf32, #tpu.memory_space<hbm>>) target(%dma_start3A_222 : memref<8x768xf32, #tpu.memory_space<vmem_shared>>) target_semaphore(%arg11 : memref<!tpu.dma_semaphore, #tpu.memory_space<semaphore_mem>>)
      %run_scoped3A_225 = arith.constant 2 : i32
      "tpu.region"() ({
        %run_scoped3A_581 = tpu.sem_alloc : memref<!tpu.dma_semaphore, #tpu.memory_space<semaphore_mem>>
        %dma_start3A_582 = arith.constant 12288 : i32
        %dma_start3A_583 = tpu.memref_slice %arg9[%dma_start3A_582] : memref<100096xf32, #tpu.memory_space<vmem>> -> memref<6144xf32, #tpu.memory_space<vmem>>
        %dma_start3A_584 = arith.constant 0 : i32
        %dma_start3A_585 = tpu.memref_slice %arg6[%select_n3A, %run_scoped3A_225, %select_n3A_28, %dma_start3A_584] : memref<2x3x8x6144xf32, #tpu.memory_space<vmem_shared>> -> memref<1x1x1x6144xf32, #tpu.memory_space<vmem_shared>>
        %dma_start3A_586 = tpu.memref_squeeze %dma_start3A_585 : memref<1x1x1x6144xf32, #tpu.memory_space<vmem_shared>> -> memref<6144xf32, #tpu.memory_space<vmem_shared>>
        %dma_start3A_587 = arith.constant 12288 : i32
        %dma_start3A_588 = tpu.memref_slice %arg9[%dma_start3A_587] : memref<100096xf32, #tpu.memory_space<vmem>> -> memref<6144xf32, #tpu.memory_space<vmem>>
        %dma_start3A_589 = arith.constant 0 : i32
        %dma_start3A_590 = tpu.memref_slice %arg6[%select_n3A, %run_scoped3A_225, %select_n3A_28, %dma_start3A_589] : memref<2x3x8x6144xf32, #tpu.memory_space<vmem_shared>> -> memref<1x1x1x6144xf32, #tpu.memory_space<vmem_shared>>
        %dma_start3A_591 = tpu.memref_squeeze %dma_start3A_590 : memref<1x1x1x6144xf32, #tpu.memory_space<vmem_shared>> -> memref<6144xf32, #tpu.memory_space<vmem_shared>>
        tpu.enqueue_dma source(%dma_start3A_591 : memref<6144xf32, #tpu.memory_space<vmem_shared>>) target(%dma_start3A_588 : memref<6144xf32, #tpu.memory_space<vmem>>) target_semaphore(%run_scoped3A_581 : memref<!tpu.dma_semaphore, #tpu.memory_space<semaphore_mem>>)
        %dma_wait3A_592 = arith.constant 12288 : i32
        %dma_wait3A_593 = tpu.memref_slice %arg9[%dma_wait3A_592] : memref<100096xf32, #tpu.memory_space<vmem>> -> memref<6144xf32, #tpu.memory_space<vmem>>
        %dma_wait3A_594 = arith.constant 0 : i32
        %dma_wait3A_595 = tpu.memref_slice %arg6[%select_n3A, %run_scoped3A_225, %select_n3A_28, %dma_wait3A_594] : memref<2x3x8x6144xf32, #tpu.memory_space<vmem_shared>> -> memref<1x1x1x6144xf32, #tpu.memory_space<vmem_shared>>
        %dma_wait3A_596 = tpu.memref_squeeze %dma_wait3A_595 : memref<1x1x1x6144xf32, #tpu.memory_space<vmem_shared>> -> memref<6144xf32, #tpu.memory_space<vmem_shared>>
        %dma_wait3A_597 = arith.constant 12288 : i32
        %dma_wait3A_598 = tpu.memref_slice %arg9[%dma_wait3A_597] : memref<100096xf32, #tpu.memory_space<vmem>> -> memref<6144xf32, #tpu.memory_space<vmem>>
        %dma_wait3A_599 = arith.constant 0 : i32
        %dma_wait3A_600 = tpu.memref_slice %arg6[%select_n3A, %run_scoped3A_225, %select_n3A_28, %dma_wait3A_599] : memref<2x3x8x6144xf32, #tpu.memory_space<vmem_shared>> -> memref<1x1x1x6144xf32, #tpu.memory_space<vmem_shared>>
        %dma_wait3A_601 = tpu.memref_squeeze %dma_wait3A_600 : memref<1x1x1x6144xf32, #tpu.memory_space<vmem_shared>> -> memref<6144xf32, #tpu.memory_space<vmem_shared>>
        tpu.wait_dma2 semaphore(%run_scoped3A_581 : memref<!tpu.dma_semaphore, #tpu.memory_space<semaphore_mem>>) src(%dma_wait3A_601 : memref<6144xf32, #tpu.memory_space<vmem_shared>>) dst(%dma_wait3A_598 : memref<6144xf32, #tpu.memory_space<vmem>>)
        tpu.yield
      }) : () -> ()
      %mul3A_226 = arith.constant 768 : i32
      %mul3A_227 = arith.muli %select_n3A_28, %mul3A_226 : i32
      %add3A_228 = arith.constant 18432 : i32
      %add3A_229 = arith.addi %add3A_228, %mul3A_227 : i32
      %mul3A_230 = arith.constant 768 : i32
      %mul3A_231 = arith.muli %select_n3A_28, %mul3A_230 : i32
      %dma_wait3A_232 = arith.constant 0 : i32
      %dma_wait3A_233 = arith.constant 0 : i32
      %dma_wait3A_234 = tpu.memref_slice %arg6[%select_n3A, %dma_wait3A_232, %dma_wait3A_233, %mul3A_231] : memref<2x3x8x6144xf32, #tpu.memory_space<vmem_shared>> -> memref<1x1x8x768xf32, #tpu.memory_space<vmem_shared>>
      %dma_wait3A_235 = tpu.memref_squeeze %dma_wait3A_234 : memref<1x1x8x768xf32, #tpu.memory_space<vmem_shared>> -> memref<8x768xf32, #tpu.memory_space<vmem_shared>>
      %dma_wait3A_236 = tpu.memref_slice %arg3[%select_n3A_131, %multiple_of3A_150, %add3A_229] : memref<26x32x100001xf32, #tpu.memory_space<hbm>> -> memref<1x8x768xf32, #tpu.memory_space<hbm>>
      %dma_wait3A_237 = tpu.memref_squeeze %dma_wait3A_236 : memref<1x8x768xf32, #tpu.memory_space<hbm>> -> memref<8x768xf32, #tpu.memory_space<hbm>>
      tpu.wait_dma2 semaphore(%arg11 : memref<!tpu.dma_semaphore, #tpu.memory_space<semaphore_mem>>) src(%dma_wait3A_237 : memref<8x768xf32, #tpu.memory_space<hbm>>) dst(%dma_wait3A_235 : memref<8x768xf32, #tpu.memory_space<vmem_shared>>)
      %barrier3A_238 = arith.constant 0 : index
      tpu.barrier barrier_id(%barrier3A_238)
      %mul3A_239 = arith.constant 768 : i32
      %mul3A_240 = arith.muli %select_n3A_28, %mul3A_239 : i32
      %add3A_241 = arith.constant 30720 : i32
      %add3A_242 = arith.addi %add3A_241, %mul3A_240 : i32
      %mul3A_243 = arith.constant 768 : i32
      %mul3A_244 = arith.muli %select_n3A_28, %mul3A_243 : i32
      %dma_start3A_245 = arith.constant 2 : i32
      %dma_start3A_246 = arith.constant 0 : i32
      %dma_start3A_247 = tpu.memref_slice %arg6[%select_n3A, %dma_start3A_245, %dma_start3A_246, %mul3A_244] : memref<2x3x8x6144xf32, #tpu.memory_space<vmem_shared>> -> memref<1x1x8x768xf32, #tpu.memory_space<vmem_shared>>
      %dma_start3A_248 = tpu.memref_squeeze %dma_start3A_247 : memref<1x1x8x768xf32, #tpu.memory_space<vmem_shared>> -> memref<8x768xf32, #tpu.memory_space<vmem_shared>>
      %dma_start3A_249 = tpu.memref_slice %arg3[%select_n3A_131, %multiple_of3A_150, %add3A_242] : memref<26x32x100001xf32, #tpu.memory_space<hbm>> -> memref<1x8x768xf32, #tpu.memory_space<hbm>>
      %dma_start3A_250 = tpu.memref_squeeze %dma_start3A_249 : memref<1x8x768xf32, #tpu.memory_space<hbm>> -> memref<8x768xf32, #tpu.memory_space<hbm>>
      tpu.enqueue_dma source(%dma_start3A_250 : memref<8x768xf32, #tpu.memory_space<hbm>>) target(%dma_start3A_248 : memref<8x768xf32, #tpu.memory_space<vmem_shared>>) target_semaphore(%arg11 : memref<!tpu.dma_semaphore, #tpu.memory_space<semaphore_mem>>)
      %run_scoped3A_251 = arith.constant 0 : i32
      "tpu.region"() ({
        %run_scoped3A_581 = tpu.sem_alloc : memref<!tpu.dma_semaphore, #tpu.memory_space<semaphore_mem>>
        %dma_start3A_582 = arith.constant 18432 : i32
        %dma_start3A_583 = tpu.memref_slice %arg9[%dma_start3A_582] : memref<100096xf32, #tpu.memory_space<vmem>> -> memref<6144xf32, #tpu.memory_space<vmem>>
        %dma_start3A_584 = arith.constant 0 : i32
        %dma_start3A_585 = tpu.memref_slice %arg6[%select_n3A, %run_scoped3A_251, %select_n3A_28, %dma_start3A_584] : memref<2x3x8x6144xf32, #tpu.memory_space<vmem_shared>> -> memref<1x1x1x6144xf32, #tpu.memory_space<vmem_shared>>
        %dma_start3A_586 = tpu.memref_squeeze %dma_start3A_585 : memref<1x1x1x6144xf32, #tpu.memory_space<vmem_shared>> -> memref<6144xf32, #tpu.memory_space<vmem_shared>>
        %dma_start3A_587 = arith.constant 18432 : i32
        %dma_start3A_588 = tpu.memref_slice %arg9[%dma_start3A_587] : memref<100096xf32, #tpu.memory_space<vmem>> -> memref<6144xf32, #tpu.memory_space<vmem>>
        %dma_start3A_589 = arith.constant 0 : i32
        %dma_start3A_590 = tpu.memref_slice %arg6[%select_n3A, %run_scoped3A_251, %select_n3A_28, %dma_start3A_589] : memref<2x3x8x6144xf32, #tpu.memory_space<vmem_shared>> -> memref<1x1x1x6144xf32, #tpu.memory_space<vmem_shared>>
        %dma_start3A_591 = tpu.memref_squeeze %dma_start3A_590 : memref<1x1x1x6144xf32, #tpu.memory_space<vmem_shared>> -> memref<6144xf32, #tpu.memory_space<vmem_shared>>
        tpu.enqueue_dma source(%dma_start3A_591 : memref<6144xf32, #tpu.memory_space<vmem_shared>>) target(%dma_start3A_588 : memref<6144xf32, #tpu.memory_space<vmem>>) target_semaphore(%run_scoped3A_581 : memref<!tpu.dma_semaphore, #tpu.memory_space<semaphore_mem>>)
        %dma_wait3A_592 = arith.constant 18432 : i32
        %dma_wait3A_593 = tpu.memref_slice %arg9[%dma_wait3A_592] : memref<100096xf32, #tpu.memory_space<vmem>> -> memref<6144xf32, #tpu.memory_space<vmem>>
        %dma_wait3A_594 = arith.constant 0 : i32
        %dma_wait3A_595 = tpu.memref_slice %arg6[%select_n3A, %run_scoped3A_251, %select_n3A_28, %dma_wait3A_594] : memref<2x3x8x6144xf32, #tpu.memory_space<vmem_shared>> -> memref<1x1x1x6144xf32, #tpu.memory_space<vmem_shared>>
        %dma_wait3A_596 = tpu.memref_squeeze %dma_wait3A_595 : memref<1x1x1x6144xf32, #tpu.memory_space<vmem_shared>> -> memref<6144xf32, #tpu.memory_space<vmem_shared>>
        %dma_wait3A_597 = arith.constant 18432 : i32
        %dma_wait3A_598 = tpu.memref_slice %arg9[%dma_wait3A_597] : memref<100096xf32, #tpu.memory_space<vmem>> -> memref<6144xf32, #tpu.memory_space<vmem>>
        %dma_wait3A_599 = arith.constant 0 : i32
        %dma_wait3A_600 = tpu.memref_slice %arg6[%select_n3A, %run_scoped3A_251, %select_n3A_28, %dma_wait3A_599] : memref<2x3x8x6144xf32, #tpu.memory_space<vmem_shared>> -> memref<1x1x1x6144xf32, #tpu.memory_space<vmem_shared>>
        %dma_wait3A_601 = tpu.memref_squeeze %dma_wait3A_600 : memref<1x1x1x6144xf32, #tpu.memory_space<vmem_shared>> -> memref<6144xf32, #tpu.memory_space<vmem_shared>>
        tpu.wait_dma2 semaphore(%run_scoped3A_581 : memref<!tpu.dma_semaphore, #tpu.memory_space<semaphore_mem>>) src(%dma_wait3A_601 : memref<6144xf32, #tpu.memory_space<vmem_shared>>) dst(%dma_wait3A_598 : memref<6144xf32, #tpu.memory_space<vmem>>)
        tpu.yield
      }) : () -> ()
      %mul3A_252 = arith.constant 768 : i32
      %mul3A_253 = arith.muli %select_n3A_28, %mul3A_252 : i32
      %add3A_254 = arith.constant 24576 : i32
      %add3A_255 = arith.addi %add3A_254, %mul3A_253 : i32
      %mul3A_256 = arith.constant 768 : i32
      %mul3A_257 = arith.muli %select_n3A_28, %mul3A_256 : i32
      %dma_wait3A_258 = arith.constant 1 : i32
      %dma_wait3A_259 = arith.constant 0 : i32
      %dma_wait3A_260 = tpu.memref_slice %arg6[%select_n3A, %dma_wait3A_258, %dma_wait3A_259, %mul3A_257] : memref<2x3x8x6144xf32, #tpu.memory_space<vmem_shared>> -> memref<1x1x8x768xf32, #tpu.memory_space<vmem_shared>>
      %dma_wait3A_261 = tpu.memref_squeeze %dma_wait3A_260 : memref<1x1x8x768xf32, #tpu.memory_space<vmem_shared>> -> memref<8x768xf32, #tpu.memory_space<vmem_shared>>
      %dma_wait3A_262 = tpu.memref_slice %arg3[%select_n3A_131, %multiple_of3A_150, %add3A_255] : memref<26x32x100001xf32, #tpu.memory_space<hbm>> -> memref<1x8x768xf32, #tpu.memory_space<hbm>>
      %dma_wait3A_263 = tpu.memref_squeeze %dma_wait3A_262 : memref<1x8x768xf32, #tpu.memory_space<hbm>> -> memref<8x768xf32, #tpu.memory_space<hbm>>
      tpu.wait_dma2 semaphore(%arg11 : memref<!tpu.dma_semaphore, #tpu.memory_space<semaphore_mem>>) src(%dma_wait3A_263 : memref<8x768xf32, #tpu.memory_space<hbm>>) dst(%dma_wait3A_261 : memref<8x768xf32, #tpu.memory_space<vmem_shared>>)
      %barrier3A_264 = arith.constant 0 : index
      tpu.barrier barrier_id(%barrier3A_264)
      %mul3A_265 = arith.constant 768 : i32
      %mul3A_266 = arith.muli %select_n3A_28, %mul3A_265 : i32
      %add3A_267 = arith.constant 36864 : i32
      %add3A_268 = arith.addi %add3A_267, %mul3A_266 : i32
      %mul3A_269 = arith.constant 768 : i32
      %mul3A_270 = arith.muli %select_n3A_28, %mul3A_269 : i32
      %dma_start3A_271 = arith.constant 0 : i32
      %dma_start3A_272 = arith.constant 0 : i32
      %dma_start3A_273 = tpu.memref_slice %arg6[%select_n3A, %dma_start3A_271, %dma_start3A_272, %mul3A_270] : memref<2x3x8x6144xf32, #tpu.memory_space<vmem_shared>> -> memref<1x1x8x768xf32, #tpu.memory_space<vmem_shared>>
      %dma_start3A_274 = tpu.memref_squeeze %dma_start3A_273 : memref<1x1x8x768xf32, #tpu.memory_space<vmem_shared>> -> memref<8x768xf32, #tpu.memory_space<vmem_shared>>
      %dma_start3A_275 = tpu.memref_slice %arg3[%select_n3A_131, %multiple_of3A_150, %add3A_268] : memref<26x32x100001xf32, #tpu.memory_space<hbm>> -> memref<1x8x768xf32, #tpu.memory_space<hbm>>
      %dma_start3A_276 = tpu.memref_squeeze %dma_start3A_275 : memref<1x8x768xf32, #tpu.memory_space<hbm>> -> memref<8x768xf32, #tpu.memory_space<hbm>>
      tpu.enqueue_dma source(%dma_start3A_276 : memref<8x768xf32, #tpu.memory_space<hbm>>) target(%dma_start3A_274 : memref<8x768xf32, #tpu.memory_space<vmem_shared>>) target_semaphore(%arg11 : memref<!tpu.dma_semaphore, #tpu.memory_space<semaphore_mem>>)
      %run_scoped3A_277 = arith.constant 1 : i32
      "tpu.region"() ({
        %run_scoped3A_581 = tpu.sem_alloc : memref<!tpu.dma_semaphore, #tpu.memory_space<semaphore_mem>>
        %dma_start3A_582 = arith.constant 24576 : i32
        %dma_start3A_583 = tpu.memref_slice %arg9[%dma_start3A_582] : memref<100096xf32, #tpu.memory_space<vmem>> -> memref<6144xf32, #tpu.memory_space<vmem>>
        %dma_start3A_584 = arith.constant 0 : i32
        %dma_start3A_585 = tpu.memref_slice %arg6[%select_n3A, %run_scoped3A_277, %select_n3A_28, %dma_start3A_584] : memref<2x3x8x6144xf32, #tpu.memory_space<vmem_shared>> -> memref<1x1x1x6144xf32, #tpu.memory_space<vmem_shared>>
        %dma_start3A_586 = tpu.memref_squeeze %dma_start3A_585 : memref<1x1x1x6144xf32, #tpu.memory_space<vmem_shared>> -> memref<6144xf32, #tpu.memory_space<vmem_shared>>
        %dma_start3A_587 = arith.constant 24576 : i32
        %dma_start3A_588 = tpu.memref_slice %arg9[%dma_start3A_587] : memref<100096xf32, #tpu.memory_space<vmem>> -> memref<6144xf32, #tpu.memory_space<vmem>>
        %dma_start3A_589 = arith.constant 0 : i32
        %dma_start3A_590 = tpu.memref_slice %arg6[%select_n3A, %run_scoped3A_277, %select_n3A_28, %dma_start3A_589] : memref<2x3x8x6144xf32, #tpu.memory_space<vmem_shared>> -> memref<1x1x1x6144xf32, #tpu.memory_space<vmem_shared>>
        %dma_start3A_591 = tpu.memref_squeeze %dma_start3A_590 : memref<1x1x1x6144xf32, #tpu.memory_space<vmem_shared>> -> memref<6144xf32, #tpu.memory_space<vmem_shared>>
        tpu.enqueue_dma source(%dma_start3A_591 : memref<6144xf32, #tpu.memory_space<vmem_shared>>) target(%dma_start3A_588 : memref<6144xf32, #tpu.memory_space<vmem>>) target_semaphore(%run_scoped3A_581 : memref<!tpu.dma_semaphore, #tpu.memory_space<semaphore_mem>>)
        %dma_wait3A_592 = arith.constant 24576 : i32
        %dma_wait3A_593 = tpu.memref_slice %arg9[%dma_wait3A_592] : memref<100096xf32, #tpu.memory_space<vmem>> -> memref<6144xf32, #tpu.memory_space<vmem>>
        %dma_wait3A_594 = arith.constant 0 : i32
        %dma_wait3A_595 = tpu.memref_slice %arg6[%select_n3A, %run_scoped3A_277, %select_n3A_28, %dma_wait3A_594] : memref<2x3x8x6144xf32, #tpu.memory_space<vmem_shared>> -> memref<1x1x1x6144xf32, #tpu.memory_space<vmem_shared>>
        %dma_wait3A_596 = tpu.memref_squeeze %dma_wait3A_595 : memref<1x1x1x6144xf32, #tpu.memory_space<vmem_shared>> -> memref<6144xf32, #tpu.memory_space<vmem_shared>>
        %dma_wait3A_597 = arith.constant 24576 : i32
        %dma_wait3A_598 = tpu.memref_slice %arg9[%dma_wait3A_597] : memref<100096xf32, #tpu.memory_space<vmem>> -> memref<6144xf32, #tpu.memory_space<vmem>>
        %dma_wait3A_599 = arith.constant 0 : i32
        %dma_wait3A_600 = tpu.memref_slice %arg6[%select_n3A, %run_scoped3A_277, %select_n3A_28, %dma_wait3A_599] : memref<2x3x8x6144xf32, #tpu.memory_space<vmem_shared>> -> memref<1x1x1x6144xf32, #tpu.memory_space<vmem_shared>>
        %dma_wait3A_601 = tpu.memref_squeeze %dma_wait3A_600 : memref<1x1x1x6144xf32, #tpu.memory_space<vmem_shared>> -> memref<6144xf32, #tpu.memory_space<vmem_shared>>
        tpu.wait_dma2 semaphore(%run_scoped3A_581 : memref<!tpu.dma_semaphore, #tpu.memory_space<semaphore_mem>>) src(%dma_wait3A_601 : memref<6144xf32, #tpu.memory_space<vmem_shared>>) dst(%dma_wait3A_598 : memref<6144xf32, #tpu.memory_space<vmem>>)
        tpu.yield
      }) : () -> ()
      %mul3A_278 = arith.constant 768 : i32
      %mul3A_279 = arith.muli %select_n3A_28, %mul3A_278 : i32
      %add3A_280 = arith.constant 30720 : i32
      %add3A_281 = arith.addi %add3A_280, %mul3A_279 : i32
      %mul3A_282 = arith.constant 768 : i32
      %mul3A_283 = arith.muli %select_n3A_28, %mul3A_282 : i32
      %dma_wait3A_284 = arith.constant 2 : i32
      %dma_wait3A_285 = arith.constant 0 : i32
      %dma_wait3A_286 = tpu.memref_slice %arg6[%select_n3A, %dma_wait3A_284, %dma_wait3A_285, %mul3A_283] : memref<2x3x8x6144xf32, #tpu.memory_space<vmem_shared>> -> memref<1x1x8x768xf32, #tpu.memory_space<vmem_shared>>
      %dma_wait3A_287 = tpu.memref_squeeze %dma_wait3A_286 : memref<1x1x8x768xf32, #tpu.memory_space<vmem_shared>> -> memref<8x768xf32, #tpu.memory_space<vmem_shared>>
      %dma_wait3A_288 = tpu.memref_slice %arg3[%select_n3A_131, %multiple_of3A_150, %add3A_281] : memref<26x32x100001xf32, #tpu.memory_space<hbm>> -> memref<1x8x768xf32, #tpu.memory_space<hbm>>
      %dma_wait3A_289 = tpu.memref_squeeze %dma_wait3A_288 : memref<1x8x768xf32, #tpu.memory_space<hbm>> -> memref<8x768xf32, #tpu.memory_space<hbm>>
      tpu.wait_dma2 semaphore(%arg11 : memref<!tpu.dma_semaphore, #tpu.memory_space<semaphore_mem>>) src(%dma_wait3A_289 : memref<8x768xf32, #tpu.memory_space<hbm>>) dst(%dma_wait3A_287 : memref<8x768xf32, #tpu.memory_space<vmem_shared>>)
      %barrier3A_290 = arith.constant 0 : index
      tpu.barrier barrier_id(%barrier3A_290)
      %mul3A_291 = arith.constant 768 : i32
      %mul3A_292 = arith.muli %select_n3A_28, %mul3A_291 : i32
      %add3A_293 = arith.constant 43008 : i32
      %add3A_294 = arith.addi %add3A_293, %mul3A_292 : i32
      %mul3A_295 = arith.constant 768 : i32
      %mul3A_296 = arith.muli %select_n3A_28, %mul3A_295 : i32
      %dma_start3A_297 = arith.constant 1 : i32
      %dma_start3A_298 = arith.constant 0 : i32
      %dma_start3A_299 = tpu.memref_slice %arg6[%select_n3A, %dma_start3A_297, %dma_start3A_298, %mul3A_296] : memref<2x3x8x6144xf32, #tpu.memory_space<vmem_shared>> -> memref<1x1x8x768xf32, #tpu.memory_space<vmem_shared>>
      %dma_start3A_300 = tpu.memref_squeeze %dma_start3A_299 : memref<1x1x8x768xf32, #tpu.memory_space<vmem_shared>> -> memref<8x768xf32, #tpu.memory_space<vmem_shared>>
      %dma_start3A_301 = tpu.memref_slice %arg3[%select_n3A_131, %multiple_of3A_150, %add3A_294] : memref<26x32x100001xf32, #tpu.memory_space<hbm>> -> memref<1x8x768xf32, #tpu.memory_space<hbm>>
      %dma_start3A_302 = tpu.memref_squeeze %dma_start3A_301 : memref<1x8x768xf32, #tpu.memory_space<hbm>> -> memref<8x768xf32, #tpu.memory_space<hbm>>
      tpu.enqueue_dma source(%dma_start3A_302 : memref<8x768xf32, #tpu.memory_space<hbm>>) target(%dma_start3A_300 : memref<8x768xf32, #tpu.memory_space<vmem_shared>>) target_semaphore(%arg11 : memref<!tpu.dma_semaphore, #tpu.memory_space<semaphore_mem>>)
      %run_scoped3A_303 = arith.constant 2 : i32
      "tpu.region"() ({
        %run_scoped3A_581 = tpu.sem_alloc : memref<!tpu.dma_semaphore, #tpu.memory_space<semaphore_mem>>
        %dma_start3A_582 = arith.constant 30720 : i32
        %dma_start3A_583 = tpu.memref_slice %arg9[%dma_start3A_582] : memref<100096xf32, #tpu.memory_space<vmem>> -> memref<6144xf32, #tpu.memory_space<vmem>>
        %dma_start3A_584 = arith.constant 0 : i32
        %dma_start3A_585 = tpu.memref_slice %arg6[%select_n3A, %run_scoped3A_303, %select_n3A_28, %dma_start3A_584] : memref<2x3x8x6144xf32, #tpu.memory_space<vmem_shared>> -> memref<1x1x1x6144xf32, #tpu.memory_space<vmem_shared>>
        %dma_start3A_586 = tpu.memref_squeeze %dma_start3A_585 : memref<1x1x1x6144xf32, #tpu.memory_space<vmem_shared>> -> memref<6144xf32, #tpu.memory_space<vmem_shared>>
        %dma_start3A_587 = arith.constant 30720 : i32
        %dma_start3A_588 = tpu.memref_slice %arg9[%dma_start3A_587] : memref<100096xf32, #tpu.memory_space<vmem>> -> memref<6144xf32, #tpu.memory_space<vmem>>
        %dma_start3A_589 = arith.constant 0 : i32
        %dma_start3A_590 = tpu.memref_slice %arg6[%select_n3A, %run_scoped3A_303, %select_n3A_28, %dma_start3A_589] : memref<2x3x8x6144xf32, #tpu.memory_space<vmem_shared>> -> memref<1x1x1x6144xf32, #tpu.memory_space<vmem_shared>>
        %dma_start3A_591 = tpu.memref_squeeze %dma_start3A_590 : memref<1x1x1x6144xf32, #tpu.memory_space<vmem_shared>> -> memref<6144xf32, #tpu.memory_space<vmem_shared>>
        tpu.enqueue_dma source(%dma_start3A_591 : memref<6144xf32, #tpu.memory_space<vmem_shared>>) target(%dma_start3A_588 : memref<6144xf32, #tpu.memory_space<vmem>>) target_semaphore(%run_scoped3A_581 : memref<!tpu.dma_semaphore, #tpu.memory_space<semaphore_mem>>)
        %dma_wait3A_592 = arith.constant 30720 : i32
        %dma_wait3A_593 = tpu.memref_slice %arg9[%dma_wait3A_592] : memref<100096xf32, #tpu.memory_space<vmem>> -> memref<6144xf32, #tpu.memory_space<vmem>>
        %dma_wait3A_594 = arith.constant 0 : i32
        %dma_wait3A_595 = tpu.memref_slice %arg6[%select_n3A, %run_scoped3A_303, %select_n3A_28, %dma_wait3A_594] : memref<2x3x8x6144xf32, #tpu.memory_space<vmem_shared>> -> memref<1x1x1x6144xf32, #tpu.memory_space<vmem_shared>>
        %dma_wait3A_596 = tpu.memref_squeeze %dma_wait3A_595 : memref<1x1x1x6144xf32, #tpu.memory_space<vmem_shared>> -> memref<6144xf32, #tpu.memory_space<vmem_shared>>
        %dma_wait3A_597 = arith.constant 30720 : i32
        %dma_wait3A_598 = tpu.memref_slice %arg9[%dma_wait3A_597] : memref<100096xf32, #tpu.memory_space<vmem>> -> memref<6144xf32, #tpu.memory_space<vmem>>
        %dma_wait3A_599 = arith.constant 0 : i32
        %dma_wait3A_600 = tpu.memref_slice %arg6[%select_n3A, %run_scoped3A_303, %select_n3A_28, %dma_wait3A_599] : memref<2x3x8x6144xf32, #tpu.memory_space<vmem_shared>> -> memref<1x1x1x6144xf32, #tpu.memory_space<vmem_shared>>
        %dma_wait3A_601 = tpu.memref_squeeze %dma_wait3A_600 : memref<1x1x1x6144xf32, #tpu.memory_space<vmem_shared>> -> memref<6144xf32, #tpu.memory_space<vmem_shared>>
        tpu.wait_dma2 semaphore(%run_scoped3A_581 : memref<!tpu.dma_semaphore, #tpu.memory_space<semaphore_mem>>) src(%dma_wait3A_601 : memref<6144xf32, #tpu.memory_space<vmem_shared>>) dst(%dma_wait3A_598 : memref<6144xf32, #tpu.memory_space<vmem>>)
        tpu.yield
      }) : () -> ()
      %mul3A_304 = arith.constant 768 : i32
      %mul3A_305 = arith.muli %select_n3A_28, %mul3A_304 : i32
      %add3A_306 = arith.constant 36864 : i32
      %add3A_307 = arith.addi %add3A_306, %mul3A_305 : i32
      %mul3A_308 = arith.constant 768 : i32
      %mul3A_309 = arith.muli %select_n3A_28, %mul3A_308 : i32
      %dma_wait3A_310 = arith.constant 0 : i32
      %dma_wait3A_311 = arith.constant 0 : i32
      %dma_wait3A_312 = tpu.memref_slice %arg6[%select_n3A, %dma_wait3A_310, %dma_wait3A_311, %mul3A_309] : memref<2x3x8x6144xf32, #tpu.memory_space<vmem_shared>> -> memref<1x1x8x768xf32, #tpu.memory_space<vmem_shared>>
      %dma_wait3A_313 = tpu.memref_squeeze %dma_wait3A_312 : memref<1x1x8x768xf32, #tpu.memory_space<vmem_shared>> -> memref<8x768xf32, #tpu.memory_space<vmem_shared>>
      %dma_wait3A_314 = tpu.memref_slice %arg3[%select_n3A_131, %multiple_of3A_150, %add3A_307] : memref<26x32x100001xf32, #tpu.memory_space<hbm>> -> memref<1x8x768xf32, #tpu.memory_space<hbm>>
      %dma_wait3A_315 = tpu.memref_squeeze %dma_wait3A_314 : memref<1x8x768xf32, #tpu.memory_space<hbm>> -> memref<8x768xf32, #tpu.memory_space<hbm>>
      tpu.wait_dma2 semaphore(%arg11 : memref<!tpu.dma_semaphore, #tpu.memory_space<semaphore_mem>>) src(%dma_wait3A_315 : memref<8x768xf32, #tpu.memory_space<hbm>>) dst(%dma_wait3A_313 : memref<8x768xf32, #tpu.memory_space<vmem_shared>>)
      %barrier3A_316 = arith.constant 0 : index
      tpu.barrier barrier_id(%barrier3A_316)
      %mul3A_317 = arith.constant 768 : i32
      %mul3A_318 = arith.muli %select_n3A_28, %mul3A_317 : i32
      %add3A_319 = arith.constant 49152 : i32
      %add3A_320 = arith.addi %add3A_319, %mul3A_318 : i32
      %mul3A_321 = arith.constant 768 : i32
      %mul3A_322 = arith.muli %select_n3A_28, %mul3A_321 : i32
      %dma_start3A_323 = arith.constant 2 : i32
      %dma_start3A_324 = arith.constant 0 : i32
      %dma_start3A_325 = tpu.memref_slice %arg6[%select_n3A, %dma_start3A_323, %dma_start3A_324, %mul3A_322] : memref<2x3x8x6144xf32, #tpu.memory_space<vmem_shared>> -> memref<1x1x8x768xf32, #tpu.memory_space<vmem_shared>>
      %dma_start3A_326 = tpu.memref_squeeze %dma_start3A_325 : memref<1x1x8x768xf32, #tpu.memory_space<vmem_shared>> -> memref<8x768xf32, #tpu.memory_space<vmem_shared>>
      %dma_start3A_327 = tpu.memref_slice %arg3[%select_n3A_131, %multiple_of3A_150, %add3A_320] : memref<26x32x100001xf32, #tpu.memory_space<hbm>> -> memref<1x8x768xf32, #tpu.memory_space<hbm>>
      %dma_start3A_328 = tpu.memref_squeeze %dma_start3A_327 : memref<1x8x768xf32, #tpu.memory_space<hbm>> -> memref<8x768xf32, #tpu.memory_space<hbm>>
      tpu.enqueue_dma source(%dma_start3A_328 : memref<8x768xf32, #tpu.memory_space<hbm>>) target(%dma_start3A_326 : memref<8x768xf32, #tpu.memory_space<vmem_shared>>) target_semaphore(%arg11 : memref<!tpu.dma_semaphore, #tpu.memory_space<semaphore_mem>>)
      %run_scoped3A_329 = arith.constant 0 : i32
      "tpu.region"() ({
        %run_scoped3A_581 = tpu.sem_alloc : memref<!tpu.dma_semaphore, #tpu.memory_space<semaphore_mem>>
        %dma_start3A_582 = arith.constant 36864 : i32
        %dma_start3A_583 = tpu.memref_slice %arg9[%dma_start3A_582] : memref<100096xf32, #tpu.memory_space<vmem>> -> memref<6144xf32, #tpu.memory_space<vmem>>
        %dma_start3A_584 = arith.constant 0 : i32
        %dma_start3A_585 = tpu.memref_slice %arg6[%select_n3A, %run_scoped3A_329, %select_n3A_28, %dma_start3A_584] : memref<2x3x8x6144xf32, #tpu.memory_space<vmem_shared>> -> memref<1x1x1x6144xf32, #tpu.memory_space<vmem_shared>>
        %dma_start3A_586 = tpu.memref_squeeze %dma_start3A_585 : memref<1x1x1x6144xf32, #tpu.memory_space<vmem_shared>> -> memref<6144xf32, #tpu.memory_space<vmem_shared>>
        %dma_start3A_587 = arith.constant 36864 : i32
        %dma_start3A_588 = tpu.memref_slice %arg9[%dma_start3A_587] : memref<100096xf32, #tpu.memory_space<vmem>> -> memref<6144xf32, #tpu.memory_space<vmem>>
        %dma_start3A_589 = arith.constant 0 : i32
        %dma_start3A_590 = tpu.memref_slice %arg6[%select_n3A, %run_scoped3A_329, %select_n3A_28, %dma_start3A_589] : memref<2x3x8x6144xf32, #tpu.memory_space<vmem_shared>> -> memref<1x1x1x6144xf32, #tpu.memory_space<vmem_shared>>
        %dma_start3A_591 = tpu.memref_squeeze %dma_start3A_590 : memref<1x1x1x6144xf32, #tpu.memory_space<vmem_shared>> -> memref<6144xf32, #tpu.memory_space<vmem_shared>>
        tpu.enqueue_dma source(%dma_start3A_591 : memref<6144xf32, #tpu.memory_space<vmem_shared>>) target(%dma_start3A_588 : memref<6144xf32, #tpu.memory_space<vmem>>) target_semaphore(%run_scoped3A_581 : memref<!tpu.dma_semaphore, #tpu.memory_space<semaphore_mem>>)
        %dma_wait3A_592 = arith.constant 36864 : i32
        %dma_wait3A_593 = tpu.memref_slice %arg9[%dma_wait3A_592] : memref<100096xf32, #tpu.memory_space<vmem>> -> memref<6144xf32, #tpu.memory_space<vmem>>
        %dma_wait3A_594 = arith.constant 0 : i32
        %dma_wait3A_595 = tpu.memref_slice %arg6[%select_n3A, %run_scoped3A_329, %select_n3A_28, %dma_wait3A_594] : memref<2x3x8x6144xf32, #tpu.memory_space<vmem_shared>> -> memref<1x1x1x6144xf32, #tpu.memory_space<vmem_shared>>
        %dma_wait3A_596 = tpu.memref_squeeze %dma_wait3A_595 : memref<1x1x1x6144xf32, #tpu.memory_space<vmem_shared>> -> memref<6144xf32, #tpu.memory_space<vmem_shared>>
        %dma_wait3A_597 = arith.constant 36864 : i32
        %dma_wait3A_598 = tpu.memref_slice %arg9[%dma_wait3A_597] : memref<100096xf32, #tpu.memory_space<vmem>> -> memref<6144xf32, #tpu.memory_space<vmem>>
        %dma_wait3A_599 = arith.constant 0 : i32
        %dma_wait3A_600 = tpu.memref_slice %arg6[%select_n3A, %run_scoped3A_329, %select_n3A_28, %dma_wait3A_599] : memref<2x3x8x6144xf32, #tpu.memory_space<vmem_shared>> -> memref<1x1x1x6144xf32, #tpu.memory_space<vmem_shared>>
        %dma_wait3A_601 = tpu.memref_squeeze %dma_wait3A_600 : memref<1x1x1x6144xf32, #tpu.memory_space<vmem_shared>> -> memref<6144xf32, #tpu.memory_space<vmem_shared>>
        tpu.wait_dma2 semaphore(%run_scoped3A_581 : memref<!tpu.dma_semaphore, #tpu.memory_space<semaphore_mem>>) src(%dma_wait3A_601 : memref<6144xf32, #tpu.memory_space<vmem_shared>>) dst(%dma_wait3A_598 : memref<6144xf32, #tpu.memory_space<vmem>>)
        tpu.yield
      }) : () -> ()
      %mul3A_330 = arith.constant 768 : i32
      %mul3A_331 = arith.muli %select_n3A_28, %mul3A_330 : i32
      %add3A_332 = arith.constant 43008 : i32
      %add3A_333 = arith.addi %add3A_332, %mul3A_331 : i32
      %mul3A_334 = arith.constant 768 : i32
      %mul3A_335 = arith.muli %select_n3A_28, %mul3A_334 : i32
      %dma_wait3A_336 = arith.constant 1 : i32
      %dma_wait3A_337 = arith.constant 0 : i32
      %dma_wait3A_338 = tpu.memref_slice %arg6[%select_n3A, %dma_wait3A_336, %dma_wait3A_337, %mul3A_335] : memref<2x3x8x6144xf32, #tpu.memory_space<vmem_shared>> -> memref<1x1x8x768xf32, #tpu.memory_space<vmem_shared>>
      %dma_wait3A_339 = tpu.memref_squeeze %dma_wait3A_338 : memref<1x1x8x768xf32, #tpu.memory_space<vmem_shared>> -> memref<8x768xf32, #tpu.memory_space<vmem_shared>>
      %dma_wait3A_340 = tpu.memref_slice %arg3[%select_n3A_131, %multiple_of3A_150, %add3A_333] : memref<26x32x100001xf32, #tpu.memory_space<hbm>> -> memref<1x8x768xf32, #tpu.memory_space<hbm>>
      %dma_wait3A_341 = tpu.memref_squeeze %dma_wait3A_340 : memref<1x8x768xf32, #tpu.memory_space<hbm>> -> memref<8x768xf32, #tpu.memory_space<hbm>>
      tpu.wait_dma2 semaphore(%arg11 : memref<!tpu.dma_semaphore, #tpu.memory_space<semaphore_mem>>) src(%dma_wait3A_341 : memref<8x768xf32, #tpu.memory_space<hbm>>) dst(%dma_wait3A_339 : memref<8x768xf32, #tpu.memory_space<vmem_shared>>)
      %barrier3A_342 = arith.constant 0 : index
      tpu.barrier barrier_id(%barrier3A_342)
      %mul3A_343 = arith.constant 768 : i32
      %mul3A_344 = arith.muli %select_n3A_28, %mul3A_343 : i32
      %add3A_345 = arith.constant 55296 : i32
      %add3A_346 = arith.addi %add3A_345, %mul3A_344 : i32
      %mul3A_347 = arith.constant 768 : i32
      %mul3A_348 = arith.muli %select_n3A_28, %mul3A_347 : i32
      %dma_start3A_349 = arith.constant 0 : i32
      %dma_start3A_350 = arith.constant 0 : i32
      %dma_start3A_351 = tpu.memref_slice %arg6[%select_n3A, %dma_start3A_349, %dma_start3A_350, %mul3A_348] : memref<2x3x8x6144xf32, #tpu.memory_space<vmem_shared>> -> memref<1x1x8x768xf32, #tpu.memory_space<vmem_shared>>
      %dma_start3A_352 = tpu.memref_squeeze %dma_start3A_351 : memref<1x1x8x768xf32, #tpu.memory_space<vmem_shared>> -> memref<8x768xf32, #tpu.memory_space<vmem_shared>>
      %dma_start3A_353 = tpu.memref_slice %arg3[%select_n3A_131, %multiple_of3A_150, %add3A_346] : memref<26x32x100001xf32, #tpu.memory_space<hbm>> -> memref<1x8x768xf32, #tpu.memory_space<hbm>>
      %dma_start3A_354 = tpu.memref_squeeze %dma_start3A_353 : memref<1x8x768xf32, #tpu.memory_space<hbm>> -> memref<8x768xf32, #tpu.memory_space<hbm>>
      tpu.enqueue_dma source(%dma_start3A_354 : memref<8x768xf32, #tpu.memory_space<hbm>>) target(%dma_start3A_352 : memref<8x768xf32, #tpu.memory_space<vmem_shared>>) target_semaphore(%arg11 : memref<!tpu.dma_semaphore, #tpu.memory_space<semaphore_mem>>)
      %run_scoped3A_355 = arith.constant 1 : i32
      "tpu.region"() ({
        %run_scoped3A_581 = tpu.sem_alloc : memref<!tpu.dma_semaphore, #tpu.memory_space<semaphore_mem>>
        %dma_start3A_582 = arith.constant 43008 : i32
        %dma_start3A_583 = tpu.memref_slice %arg9[%dma_start3A_582] : memref<100096xf32, #tpu.memory_space<vmem>> -> memref<6144xf32, #tpu.memory_space<vmem>>
        %dma_start3A_584 = arith.constant 0 : i32
        %dma_start3A_585 = tpu.memref_slice %arg6[%select_n3A, %run_scoped3A_355, %select_n3A_28, %dma_start3A_584] : memref<2x3x8x6144xf32, #tpu.memory_space<vmem_shared>> -> memref<1x1x1x6144xf32, #tpu.memory_space<vmem_shared>>
        %dma_start3A_586 = tpu.memref_squeeze %dma_start3A_585 : memref<1x1x1x6144xf32, #tpu.memory_space<vmem_shared>> -> memref<6144xf32, #tpu.memory_space<vmem_shared>>
        %dma_start3A_587 = arith.constant 43008 : i32
        %dma_start3A_588 = tpu.memref_slice %arg9[%dma_start3A_587] : memref<100096xf32, #tpu.memory_space<vmem>> -> memref<6144xf32, #tpu.memory_space<vmem>>
        %dma_start3A_589 = arith.constant 0 : i32
        %dma_start3A_590 = tpu.memref_slice %arg6[%select_n3A, %run_scoped3A_355, %select_n3A_28, %dma_start3A_589] : memref<2x3x8x6144xf32, #tpu.memory_space<vmem_shared>> -> memref<1x1x1x6144xf32, #tpu.memory_space<vmem_shared>>
        %dma_start3A_591 = tpu.memref_squeeze %dma_start3A_590 : memref<1x1x1x6144xf32, #tpu.memory_space<vmem_shared>> -> memref<6144xf32, #tpu.memory_space<vmem_shared>>
        tpu.enqueue_dma source(%dma_start3A_591 : memref<6144xf32, #tpu.memory_space<vmem_shared>>) target(%dma_start3A_588 : memref<6144xf32, #tpu.memory_space<vmem>>) target_semaphore(%run_scoped3A_581 : memref<!tpu.dma_semaphore, #tpu.memory_space<semaphore_mem>>)
        %dma_wait3A_592 = arith.constant 43008 : i32
        %dma_wait3A_593 = tpu.memref_slice %arg9[%dma_wait3A_592] : memref<100096xf32, #tpu.memory_space<vmem>> -> memref<6144xf32, #tpu.memory_space<vmem>>
        %dma_wait3A_594 = arith.constant 0 : i32
        %dma_wait3A_595 = tpu.memref_slice %arg6[%select_n3A, %run_scoped3A_355, %select_n3A_28, %dma_wait3A_594] : memref<2x3x8x6144xf32, #tpu.memory_space<vmem_shared>> -> memref<1x1x1x6144xf32, #tpu.memory_space<vmem_shared>>
        %dma_wait3A_596 = tpu.memref_squeeze %dma_wait3A_595 : memref<1x1x1x6144xf32, #tpu.memory_space<vmem_shared>> -> memref<6144xf32, #tpu.memory_space<vmem_shared>>
        %dma_wait3A_597 = arith.constant 43008 : i32
        %dma_wait3A_598 = tpu.memref_slice %arg9[%dma_wait3A_597] : memref<100096xf32, #tpu.memory_space<vmem>> -> memref<6144xf32, #tpu.memory_space<vmem>>
        %dma_wait3A_599 = arith.constant 0 : i32
        %dma_wait3A_600 = tpu.memref_slice %arg6[%select_n3A, %run_scoped3A_355, %select_n3A_28, %dma_wait3A_599] : memref<2x3x8x6144xf32, #tpu.memory_space<vmem_shared>> -> memref<1x1x1x6144xf32, #tpu.memory_space<vmem_shared>>
        %dma_wait3A_601 = tpu.memref_squeeze %dma_wait3A_600 : memref<1x1x1x6144xf32, #tpu.memory_space<vmem_shared>> -> memref<6144xf32, #tpu.memory_space<vmem_shared>>
        tpu.wait_dma2 semaphore(%run_scoped3A_581 : memref<!tpu.dma_semaphore, #tpu.memory_space<semaphore_mem>>) src(%dma_wait3A_601 : memref<6144xf32, #tpu.memory_space<vmem_shared>>) dst(%dma_wait3A_598 : memref<6144xf32, #tpu.memory_space<vmem>>)
        tpu.yield
      }) : () -> ()
      %mul3A_356 = arith.constant 768 : i32
      %mul3A_357 = arith.muli %select_n3A_28, %mul3A_356 : i32
      %add3A_358 = arith.constant 49152 : i32
      %add3A_359 = arith.addi %add3A_358, %mul3A_357 : i32
      %mul3A_360 = arith.constant 768 : i32
      %mul3A_361 = arith.muli %select_n3A_28, %mul3A_360 : i32
      %dma_wait3A_362 = arith.constant 2 : i32
      %dma_wait3A_363 = arith.constant 0 : i32
      %dma_wait3A_364 = tpu.memref_slice %arg6[%select_n3A, %dma_wait3A_362, %dma_wait3A_363, %mul3A_361] : memref<2x3x8x6144xf32, #tpu.memory_space<vmem_shared>> -> memref<1x1x8x768xf32, #tpu.memory_space<vmem_shared>>
      %dma_wait3A_365 = tpu.memref_squeeze %dma_wait3A_364 : memref<1x1x8x768xf32, #tpu.memory_space<vmem_shared>> -> memref<8x768xf32, #tpu.memory_space<vmem_shared>>
      %dma_wait3A_366 = tpu.memref_slice %arg3[%select_n3A_131, %multiple_of3A_150, %add3A_359] : memref<26x32x100001xf32, #tpu.memory_space<hbm>> -> memref<1x8x768xf32, #tpu.memory_space<hbm>>
      %dma_wait3A_367 = tpu.memref_squeeze %dma_wait3A_366 : memref<1x8x768xf32, #tpu.memory_space<hbm>> -> memref<8x768xf32, #tpu.memory_space<hbm>>
      tpu.wait_dma2 semaphore(%arg11 : memref<!tpu.dma_semaphore, #tpu.memory_space<semaphore_mem>>) src(%dma_wait3A_367 : memref<8x768xf32, #tpu.memory_space<hbm>>) dst(%dma_wait3A_365 : memref<8x768xf32, #tpu.memory_space<vmem_shared>>)
      %barrier3A_368 = arith.constant 0 : index
      tpu.barrier barrier_id(%barrier3A_368)
      %mul3A_369 = arith.constant 768 : i32
      %mul3A_370 = arith.muli %select_n3A_28, %mul3A_369 : i32
      %add3A_371 = arith.constant 61440 : i32
      %add3A_372 = arith.addi %add3A_371, %mul3A_370 : i32
      %mul3A_373 = arith.constant 768 : i32
      %mul3A_374 = arith.muli %select_n3A_28, %mul3A_373 : i32
      %dma_start3A_375 = arith.constant 1 : i32
      %dma_start3A_376 = arith.constant 0 : i32
      %dma_start3A_377 = tpu.memref_slice %arg6[%select_n3A, %dma_start3A_375, %dma_start3A_376, %mul3A_374] : memref<2x3x8x6144xf32, #tpu.memory_space<vmem_shared>> -> memref<1x1x8x768xf32, #tpu.memory_space<vmem_shared>>
      %dma_start3A_378 = tpu.memref_squeeze %dma_start3A_377 : memref<1x1x8x768xf32, #tpu.memory_space<vmem_shared>> -> memref<8x768xf32, #tpu.memory_space<vmem_shared>>
      %dma_start3A_379 = tpu.memref_slice %arg3[%select_n3A_131, %multiple_of3A_150, %add3A_372] : memref<26x32x100001xf32, #tpu.memory_space<hbm>> -> memref<1x8x768xf32, #tpu.memory_space<hbm>>
      %dma_start3A_380 = tpu.memref_squeeze %dma_start3A_379 : memref<1x8x768xf32, #tpu.memory_space<hbm>> -> memref<8x768xf32, #tpu.memory_space<hbm>>
      tpu.enqueue_dma source(%dma_start3A_380 : memref<8x768xf32, #tpu.memory_space<hbm>>) target(%dma_start3A_378 : memref<8x768xf32, #tpu.memory_space<vmem_shared>>) target_semaphore(%arg11 : memref<!tpu.dma_semaphore, #tpu.memory_space<semaphore_mem>>)
      %run_scoped3A_381 = arith.constant 2 : i32
      "tpu.region"() ({
        %run_scoped3A_581 = tpu.sem_alloc : memref<!tpu.dma_semaphore, #tpu.memory_space<semaphore_mem>>
        %dma_start3A_582 = arith.constant 49152 : i32
        %dma_start3A_583 = tpu.memref_slice %arg9[%dma_start3A_582] : memref<100096xf32, #tpu.memory_space<vmem>> -> memref<6144xf32, #tpu.memory_space<vmem>>
        %dma_start3A_584 = arith.constant 0 : i32
        %dma_start3A_585 = tpu.memref_slice %arg6[%select_n3A, %run_scoped3A_381, %select_n3A_28, %dma_start3A_584] : memref<2x3x8x6144xf32, #tpu.memory_space<vmem_shared>> -> memref<1x1x1x6144xf32, #tpu.memory_space<vmem_shared>>
        %dma_start3A_586 = tpu.memref_squeeze %dma_start3A_585 : memref<1x1x1x6144xf32, #tpu.memory_space<vmem_shared>> -> memref<6144xf32, #tpu.memory_space<vmem_shared>>
        %dma_start3A_587 = arith.constant 49152 : i32
        %dma_start3A_588 = tpu.memref_slice %arg9[%dma_start3A_587] : memref<100096xf32, #tpu.memory_space<vmem>> -> memref<6144xf32, #tpu.memory_space<vmem>>
        %dma_start3A_589 = arith.constant 0 : i32
        %dma_start3A_590 = tpu.memref_slice %arg6[%select_n3A, %run_scoped3A_381, %select_n3A_28, %dma_start3A_589] : memref<2x3x8x6144xf32, #tpu.memory_space<vmem_shared>> -> memref<1x1x1x6144xf32, #tpu.memory_space<vmem_shared>>
        %dma_start3A_591 = tpu.memref_squeeze %dma_start3A_590 : memref<1x1x1x6144xf32, #tpu.memory_space<vmem_shared>> -> memref<6144xf32, #tpu.memory_space<vmem_shared>>
        tpu.enqueue_dma source(%dma_start3A_591 : memref<6144xf32, #tpu.memory_space<vmem_shared>>) target(%dma_start3A_588 : memref<6144xf32, #tpu.memory_space<vmem>>) target_semaphore(%run_scoped3A_581 : memref<!tpu.dma_semaphore, #tpu.memory_space<semaphore_mem>>)
        %dma_wait3A_592 = arith.constant 49152 : i32
        %dma_wait3A_593 = tpu.memref_slice %arg9[%dma_wait3A_592] : memref<100096xf32, #tpu.memory_space<vmem>> -> memref<6144xf32, #tpu.memory_space<vmem>>
        %dma_wait3A_594 = arith.constant 0 : i32
        %dma_wait3A_595 = tpu.memref_slice %arg6[%select_n3A, %run_scoped3A_381, %select_n3A_28, %dma_wait3A_594] : memref<2x3x8x6144xf32, #tpu.memory_space<vmem_shared>> -> memref<1x1x1x6144xf32, #tpu.memory_space<vmem_shared>>
        %dma_wait3A_596 = tpu.memref_squeeze %dma_wait3A_595 : memref<1x1x1x6144xf32, #tpu.memory_space<vmem_shared>> -> memref<6144xf32, #tpu.memory_space<vmem_shared>>
        %dma_wait3A_597 = arith.constant 49152 : i32
        %dma_wait3A_598 = tpu.memref_slice %arg9[%dma_wait3A_597] : memref<100096xf32, #tpu.memory_space<vmem>> -> memref<6144xf32, #tpu.memory_space<vmem>>
        %dma_wait3A_599 = arith.constant 0 : i32
        %dma_wait3A_600 = tpu.memref_slice %arg6[%select_n3A, %run_scoped3A_381, %select_n3A_28, %dma_wait3A_599] : memref<2x3x8x6144xf32, #tpu.memory_space<vmem_shared>> -> memref<1x1x1x6144xf32, #tpu.memory_space<vmem_shared>>
        %dma_wait3A_601 = tpu.memref_squeeze %dma_wait3A_600 : memref<1x1x1x6144xf32, #tpu.memory_space<vmem_shared>> -> memref<6144xf32, #tpu.memory_space<vmem_shared>>
        tpu.wait_dma2 semaphore(%run_scoped3A_581 : memref<!tpu.dma_semaphore, #tpu.memory_space<semaphore_mem>>) src(%dma_wait3A_601 : memref<6144xf32, #tpu.memory_space<vmem_shared>>) dst(%dma_wait3A_598 : memref<6144xf32, #tpu.memory_space<vmem>>)
        tpu.yield
      }) : () -> ()
      %mul3A_382 = arith.constant 768 : i32
      %mul3A_383 = arith.muli %select_n3A_28, %mul3A_382 : i32
      %add3A_384 = arith.constant 55296 : i32
      %add3A_385 = arith.addi %add3A_384, %mul3A_383 : i32
      %mul3A_386 = arith.constant 768 : i32
      %mul3A_387 = arith.muli %select_n3A_28, %mul3A_386 : i32
      %dma_wait3A_388 = arith.constant 0 : i32
      %dma_wait3A_389 = arith.constant 0 : i32
      %dma_wait3A_390 = tpu.memref_slice %arg6[%select_n3A, %dma_wait3A_388, %dma_wait3A_389, %mul3A_387] : memref<2x3x8x6144xf32, #tpu.memory_space<vmem_shared>> -> memref<1x1x8x768xf32, #tpu.memory_space<vmem_shared>>
      %dma_wait3A_391 = tpu.memref_squeeze %dma_wait3A_390 : memref<1x1x8x768xf32, #tpu.memory_space<vmem_shared>> -> memref<8x768xf32, #tpu.memory_space<vmem_shared>>
      %dma_wait3A_392 = tpu.memref_slice %arg3[%select_n3A_131, %multiple_of3A_150, %add3A_385] : memref<26x32x100001xf32, #tpu.memory_space<hbm>> -> memref<1x8x768xf32, #tpu.memory_space<hbm>>
      %dma_wait3A_393 = tpu.memref_squeeze %dma_wait3A_392 : memref<1x8x768xf32, #tpu.memory_space<hbm>> -> memref<8x768xf32, #tpu.memory_space<hbm>>
      tpu.wait_dma2 semaphore(%arg11 : memref<!tpu.dma_semaphore, #tpu.memory_space<semaphore_mem>>) src(%dma_wait3A_393 : memref<8x768xf32, #tpu.memory_space<hbm>>) dst(%dma_wait3A_391 : memref<8x768xf32, #tpu.memory_space<vmem_shared>>)
      %barrier3A_394 = arith.constant 0 : index
      tpu.barrier barrier_id(%barrier3A_394)
      %mul3A_395 = arith.constant 768 : i32
      %mul3A_396 = arith.muli %select_n3A_28, %mul3A_395 : i32
      %add3A_397 = arith.constant 67584 : i32
      %add3A_398 = arith.addi %add3A_397, %mul3A_396 : i32
      %mul3A_399 = arith.constant 768 : i32
      %mul3A_400 = arith.muli %select_n3A_28, %mul3A_399 : i32
      %dma_start3A_401 = arith.constant 2 : i32
      %dma_start3A_402 = arith.constant 0 : i32
      %dma_start3A_403 = tpu.memref_slice %arg6[%select_n3A, %dma_start3A_401, %dma_start3A_402, %mul3A_400] : memref<2x3x8x6144xf32, #tpu.memory_space<vmem_shared>> -> memref<1x1x8x768xf32, #tpu.memory_space<vmem_shared>>
      %dma_start3A_404 = tpu.memref_squeeze %dma_start3A_403 : memref<1x1x8x768xf32, #tpu.memory_space<vmem_shared>> -> memref<8x768xf32, #tpu.memory_space<vmem_shared>>
      %dma_start3A_405 = tpu.memref_slice %arg3[%select_n3A_131, %multiple_of3A_150, %add3A_398] : memref<26x32x100001xf32, #tpu.memory_space<hbm>> -> memref<1x8x768xf32, #tpu.memory_space<hbm>>
      %dma_start3A_406 = tpu.memref_squeeze %dma_start3A_405 : memref<1x8x768xf32, #tpu.memory_space<hbm>> -> memref<8x768xf32, #tpu.memory_space<hbm>>
      tpu.enqueue_dma source(%dma_start3A_406 : memref<8x768xf32, #tpu.memory_space<hbm>>) target(%dma_start3A_404 : memref<8x768xf32, #tpu.memory_space<vmem_shared>>) target_semaphore(%arg11 : memref<!tpu.dma_semaphore, #tpu.memory_space<semaphore_mem>>)
      %run_scoped3A_407 = arith.constant 0 : i32
      "tpu.region"() ({
        %run_scoped3A_581 = tpu.sem_alloc : memref<!tpu.dma_semaphore, #tpu.memory_space<semaphore_mem>>
        %dma_start3A_582 = arith.constant 55296 : i32
        %dma_start3A_583 = tpu.memref_slice %arg9[%dma_start3A_582] : memref<100096xf32, #tpu.memory_space<vmem>> -> memref<6144xf32, #tpu.memory_space<vmem>>
        %dma_start3A_584 = arith.constant 0 : i32
        %dma_start3A_585 = tpu.memref_slice %arg6[%select_n3A, %run_scoped3A_407, %select_n3A_28, %dma_start3A_584] : memref<2x3x8x6144xf32, #tpu.memory_space<vmem_shared>> -> memref<1x1x1x6144xf32, #tpu.memory_space<vmem_shared>>
        %dma_start3A_586 = tpu.memref_squeeze %dma_start3A_585 : memref<1x1x1x6144xf32, #tpu.memory_space<vmem_shared>> -> memref<6144xf32, #tpu.memory_space<vmem_shared>>
        %dma_start3A_587 = arith.constant 55296 : i32
        %dma_start3A_588 = tpu.memref_slice %arg9[%dma_start3A_587] : memref<100096xf32, #tpu.memory_space<vmem>> -> memref<6144xf32, #tpu.memory_space<vmem>>
        %dma_start3A_589 = arith.constant 0 : i32
        %dma_start3A_590 = tpu.memref_slice %arg6[%select_n3A, %run_scoped3A_407, %select_n3A_28, %dma_start3A_589] : memref<2x3x8x6144xf32, #tpu.memory_space<vmem_shared>> -> memref<1x1x1x6144xf32, #tpu.memory_space<vmem_shared>>
        %dma_start3A_591 = tpu.memref_squeeze %dma_start3A_590 : memref<1x1x1x6144xf32, #tpu.memory_space<vmem_shared>> -> memref<6144xf32, #tpu.memory_space<vmem_shared>>
        tpu.enqueue_dma source(%dma_start3A_591 : memref<6144xf32, #tpu.memory_space<vmem_shared>>) target(%dma_start3A_588 : memref<6144xf32, #tpu.memory_space<vmem>>) target_semaphore(%run_scoped3A_581 : memref<!tpu.dma_semaphore, #tpu.memory_space<semaphore_mem>>)
        %dma_wait3A_592 = arith.constant 55296 : i32
        %dma_wait3A_593 = tpu.memref_slice %arg9[%dma_wait3A_592] : memref<100096xf32, #tpu.memory_space<vmem>> -> memref<6144xf32, #tpu.memory_space<vmem>>
        %dma_wait3A_594 = arith.constant 0 : i32
        %dma_wait3A_595 = tpu.memref_slice %arg6[%select_n3A, %run_scoped3A_407, %select_n3A_28, %dma_wait3A_594] : memref<2x3x8x6144xf32, #tpu.memory_space<vmem_shared>> -> memref<1x1x1x6144xf32, #tpu.memory_space<vmem_shared>>
        %dma_wait3A_596 = tpu.memref_squeeze %dma_wait3A_595 : memref<1x1x1x6144xf32, #tpu.memory_space<vmem_shared>> -> memref<6144xf32, #tpu.memory_space<vmem_shared>>
        %dma_wait3A_597 = arith.constant 55296 : i32
        %dma_wait3A_598 = tpu.memref_slice %arg9[%dma_wait3A_597] : memref<100096xf32, #tpu.memory_space<vmem>> -> memref<6144xf32, #tpu.memory_space<vmem>>
        %dma_wait3A_599 = arith.constant 0 : i32
        %dma_wait3A_600 = tpu.memref_slice %arg6[%select_n3A, %run_scoped3A_407, %select_n3A_28, %dma_wait3A_599] : memref<2x3x8x6144xf32, #tpu.memory_space<vmem_shared>> -> memref<1x1x1x6144xf32, #tpu.memory_space<vmem_shared>>
        %dma_wait3A_601 = tpu.memref_squeeze %dma_wait3A_600 : memref<1x1x1x6144xf32, #tpu.memory_space<vmem_shared>> -> memref<6144xf32, #tpu.memory_space<vmem_shared>>
        tpu.wait_dma2 semaphore(%run_scoped3A_581 : memref<!tpu.dma_semaphore, #tpu.memory_space<semaphore_mem>>) src(%dma_wait3A_601 : memref<6144xf32, #tpu.memory_space<vmem_shared>>) dst(%dma_wait3A_598 : memref<6144xf32, #tpu.memory_space<vmem>>)
        tpu.yield
      }) : () -> ()
      %mul3A_408 = arith.constant 768 : i32
      %mul3A_409 = arith.muli %select_n3A_28, %mul3A_408 : i32
      %add3A_410 = arith.constant 61440 : i32
      %add3A_411 = arith.addi %add3A_410, %mul3A_409 : i32
      %mul3A_412 = arith.constant 768 : i32
      %mul3A_413 = arith.muli %select_n3A_28, %mul3A_412 : i32
      %dma_wait3A_414 = arith.constant 1 : i32
      %dma_wait3A_415 = arith.constant 0 : i32
      %dma_wait3A_416 = tpu.memref_slice %arg6[%select_n3A, %dma_wait3A_414, %dma_wait3A_415, %mul3A_413] : memref<2x3x8x6144xf32, #tpu.memory_space<vmem_shared>> -> memref<1x1x8x768xf32, #tpu.memory_space<vmem_shared>>
      %dma_wait3A_417 = tpu.memref_squeeze %dma_wait3A_416 : memref<1x1x8x768xf32, #tpu.memory_space<vmem_shared>> -> memref<8x768xf32, #tpu.memory_space<vmem_shared>>
      %dma_wait3A_418 = tpu.memref_slice %arg3[%select_n3A_131, %multiple_of3A_150, %add3A_411] : memref<26x32x100001xf32, #tpu.memory_space<hbm>> -> memref<1x8x768xf32, #tpu.memory_space<hbm>>
      %dma_wait3A_419 = tpu.memref_squeeze %dma_wait3A_418 : memref<1x8x768xf32, #tpu.memory_space<hbm>> -> memref<8x768xf32, #tpu.memory_space<hbm>>
      tpu.wait_dma2 semaphore(%arg11 : memref<!tpu.dma_semaphore, #tpu.memory_space<semaphore_mem>>) src(%dma_wait3A_419 : memref<8x768xf32, #tpu.memory_space<hbm>>) dst(%dma_wait3A_417 : memref<8x768xf32, #tpu.memory_space<vmem_shared>>)
      %barrier3A_420 = arith.constant 0 : index
      tpu.barrier barrier_id(%barrier3A_420)
      %mul3A_421 = arith.constant 768 : i32
      %mul3A_422 = arith.muli %select_n3A_28, %mul3A_421 : i32
      %add3A_423 = arith.constant 73728 : i32
      %add3A_424 = arith.addi %add3A_423, %mul3A_422 : i32
      %mul3A_425 = arith.constant 768 : i32
      %mul3A_426 = arith.muli %select_n3A_28, %mul3A_425 : i32
      %dma_start3A_427 = arith.constant 0 : i32
      %dma_start3A_428 = arith.constant 0 : i32
      %dma_start3A_429 = tpu.memref_slice %arg6[%select_n3A, %dma_start3A_427, %dma_start3A_428, %mul3A_426] : memref<2x3x8x6144xf32, #tpu.memory_space<vmem_shared>> -> memref<1x1x8x768xf32, #tpu.memory_space<vmem_shared>>
      %dma_start3A_430 = tpu.memref_squeeze %dma_start3A_429 : memref<1x1x8x768xf32, #tpu.memory_space<vmem_shared>> -> memref<8x768xf32, #tpu.memory_space<vmem_shared>>
      %dma_start3A_431 = tpu.memref_slice %arg3[%select_n3A_131, %multiple_of3A_150, %add3A_424] : memref<26x32x100001xf32, #tpu.memory_space<hbm>> -> memref<1x8x768xf32, #tpu.memory_space<hbm>>
      %dma_start3A_432 = tpu.memref_squeeze %dma_start3A_431 : memref<1x8x768xf32, #tpu.memory_space<hbm>> -> memref<8x768xf32, #tpu.memory_space<hbm>>
      tpu.enqueue_dma source(%dma_start3A_432 : memref<8x768xf32, #tpu.memory_space<hbm>>) target(%dma_start3A_430 : memref<8x768xf32, #tpu.memory_space<vmem_shared>>) target_semaphore(%arg11 : memref<!tpu.dma_semaphore, #tpu.memory_space<semaphore_mem>>)
      %run_scoped3A_433 = arith.constant 1 : i32
      "tpu.region"() ({
        %run_scoped3A_581 = tpu.sem_alloc : memref<!tpu.dma_semaphore, #tpu.memory_space<semaphore_mem>>
        %dma_start3A_582 = arith.constant 61440 : i32
        %dma_start3A_583 = tpu.memref_slice %arg9[%dma_start3A_582] : memref<100096xf32, #tpu.memory_space<vmem>> -> memref<6144xf32, #tpu.memory_space<vmem>>
        %dma_start3A_584 = arith.constant 0 : i32
        %dma_start3A_585 = tpu.memref_slice %arg6[%select_n3A, %run_scoped3A_433, %select_n3A_28, %dma_start3A_584] : memref<2x3x8x6144xf32, #tpu.memory_space<vmem_shared>> -> memref<1x1x1x6144xf32, #tpu.memory_space<vmem_shared>>
        %dma_start3A_586 = tpu.memref_squeeze %dma_start3A_585 : memref<1x1x1x6144xf32, #tpu.memory_space<vmem_shared>> -> memref<6144xf32, #tpu.memory_space<vmem_shared>>
        %dma_start3A_587 = arith.constant 61440 : i32
        %dma_start3A_588 = tpu.memref_slice %arg9[%dma_start3A_587] : memref<100096xf32, #tpu.memory_space<vmem>> -> memref<6144xf32, #tpu.memory_space<vmem>>
        %dma_start3A_589 = arith.constant 0 : i32
        %dma_start3A_590 = tpu.memref_slice %arg6[%select_n3A, %run_scoped3A_433, %select_n3A_28, %dma_start3A_589] : memref<2x3x8x6144xf32, #tpu.memory_space<vmem_shared>> -> memref<1x1x1x6144xf32, #tpu.memory_space<vmem_shared>>
        %dma_start3A_591 = tpu.memref_squeeze %dma_start3A_590 : memref<1x1x1x6144xf32, #tpu.memory_space<vmem_shared>> -> memref<6144xf32, #tpu.memory_space<vmem_shared>>
        tpu.enqueue_dma source(%dma_start3A_591 : memref<6144xf32, #tpu.memory_space<vmem_shared>>) target(%dma_start3A_588 : memref<6144xf32, #tpu.memory_space<vmem>>) target_semaphore(%run_scoped3A_581 : memref<!tpu.dma_semaphore, #tpu.memory_space<semaphore_mem>>)
        %dma_wait3A_592 = arith.constant 61440 : i32
        %dma_wait3A_593 = tpu.memref_slice %arg9[%dma_wait3A_592] : memref<100096xf32, #tpu.memory_space<vmem>> -> memref<6144xf32, #tpu.memory_space<vmem>>
        %dma_wait3A_594 = arith.constant 0 : i32
        %dma_wait3A_595 = tpu.memref_slice %arg6[%select_n3A, %run_scoped3A_433, %select_n3A_28, %dma_wait3A_594] : memref<2x3x8x6144xf32, #tpu.memory_space<vmem_shared>> -> memref<1x1x1x6144xf32, #tpu.memory_space<vmem_shared>>
        %dma_wait3A_596 = tpu.memref_squeeze %dma_wait3A_595 : memref<1x1x1x6144xf32, #tpu.memory_space<vmem_shared>> -> memref<6144xf32, #tpu.memory_space<vmem_shared>>
        %dma_wait3A_597 = arith.constant 61440 : i32
        %dma_wait3A_598 = tpu.memref_slice %arg9[%dma_wait3A_597] : memref<100096xf32, #tpu.memory_space<vmem>> -> memref<6144xf32, #tpu.memory_space<vmem>>
        %dma_wait3A_599 = arith.constant 0 : i32
        %dma_wait3A_600 = tpu.memref_slice %arg6[%select_n3A, %run_scoped3A_433, %select_n3A_28, %dma_wait3A_599] : memref<2x3x8x6144xf32, #tpu.memory_space<vmem_shared>> -> memref<1x1x1x6144xf32, #tpu.memory_space<vmem_shared>>
        %dma_wait3A_601 = tpu.memref_squeeze %dma_wait3A_600 : memref<1x1x1x6144xf32, #tpu.memory_space<vmem_shared>> -> memref<6144xf32, #tpu.memory_space<vmem_shared>>
        tpu.wait_dma2 semaphore(%run_scoped3A_581 : memref<!tpu.dma_semaphore, #tpu.memory_space<semaphore_mem>>) src(%dma_wait3A_601 : memref<6144xf32, #tpu.memory_space<vmem_shared>>) dst(%dma_wait3A_598 : memref<6144xf32, #tpu.memory_space<vmem>>)
        tpu.yield
      }) : () -> ()
      %mul3A_434 = arith.constant 768 : i32
      %mul3A_435 = arith.muli %select_n3A_28, %mul3A_434 : i32
      %add3A_436 = arith.constant 67584 : i32
      %add3A_437 = arith.addi %add3A_436, %mul3A_435 : i32
      %mul3A_438 = arith.constant 768 : i32
      %mul3A_439 = arith.muli %select_n3A_28, %mul3A_438 : i32
      %dma_wait3A_440 = arith.constant 2 : i32
      %dma_wait3A_441 = arith.constant 0 : i32
      %dma_wait3A_442 = tpu.memref_slice %arg6[%select_n3A, %dma_wait3A_440, %dma_wait3A_441, %mul3A_439] : memref<2x3x8x6144xf32, #tpu.memory_space<vmem_shared>> -> memref<1x1x8x768xf32, #tpu.memory_space<vmem_shared>>
      %dma_wait3A_443 = tpu.memref_squeeze %dma_wait3A_442 : memref<1x1x8x768xf32, #tpu.memory_space<vmem_shared>> -> memref<8x768xf32, #tpu.memory_space<vmem_shared>>
      %dma_wait3A_444 = tpu.memref_slice %arg3[%select_n3A_131, %multiple_of3A_150, %add3A_437] : memref<26x32x100001xf32, #tpu.memory_space<hbm>> -> memref<1x8x768xf32, #tpu.memory_space<hbm>>
      %dma_wait3A_445 = tpu.memref_squeeze %dma_wait3A_444 : memref<1x8x768xf32, #tpu.memory_space<hbm>> -> memref<8x768xf32, #tpu.memory_space<hbm>>
      tpu.wait_dma2 semaphore(%arg11 : memref<!tpu.dma_semaphore, #tpu.memory_space<semaphore_mem>>) src(%dma_wait3A_445 : memref<8x768xf32, #tpu.memory_space<hbm>>) dst(%dma_wait3A_443 : memref<8x768xf32, #tpu.memory_space<vmem_shared>>)
      %barrier3A_446 = arith.constant 0 : index
      tpu.barrier barrier_id(%barrier3A_446)
      %mul3A_447 = arith.constant 768 : i32
      %mul3A_448 = arith.muli %select_n3A_28, %mul3A_447 : i32
      %add3A_449 = arith.constant 79872 : i32
      %add3A_450 = arith.addi %add3A_449, %mul3A_448 : i32
      %mul3A_451 = arith.constant 768 : i32
      %mul3A_452 = arith.muli %select_n3A_28, %mul3A_451 : i32
      %dma_start3A_453 = arith.constant 1 : i32
      %dma_start3A_454 = arith.constant 0 : i32
      %dma_start3A_455 = tpu.memref_slice %arg6[%select_n3A, %dma_start3A_453, %dma_start3A_454, %mul3A_452] : memref<2x3x8x6144xf32, #tpu.memory_space<vmem_shared>> -> memref<1x1x8x768xf32, #tpu.memory_space<vmem_shared>>
      %dma_start3A_456 = tpu.memref_squeeze %dma_start3A_455 : memref<1x1x8x768xf32, #tpu.memory_space<vmem_shared>> -> memref<8x768xf32, #tpu.memory_space<vmem_shared>>
      %dma_start3A_457 = tpu.memref_slice %arg3[%select_n3A_131, %multiple_of3A_150, %add3A_450] : memref<26x32x100001xf32, #tpu.memory_space<hbm>> -> memref<1x8x768xf32, #tpu.memory_space<hbm>>
      %dma_start3A_458 = tpu.memref_squeeze %dma_start3A_457 : memref<1x8x768xf32, #tpu.memory_space<hbm>> -> memref<8x768xf32, #tpu.memory_space<hbm>>
      tpu.enqueue_dma source(%dma_start3A_458 : memref<8x768xf32, #tpu.memory_space<hbm>>) target(%dma_start3A_456 : memref<8x768xf32, #tpu.memory_space<vmem_shared>>) target_semaphore(%arg11 : memref<!tpu.dma_semaphore, #tpu.memory_space<semaphore_mem>>)
      %run_scoped3A_459 = arith.constant 2 : i32
      "tpu.region"() ({
        %run_scoped3A_581 = tpu.sem_alloc : memref<!tpu.dma_semaphore, #tpu.memory_space<semaphore_mem>>
        %dma_start3A_582 = arith.constant 67584 : i32
        %dma_start3A_583 = tpu.memref_slice %arg9[%dma_start3A_582] : memref<100096xf32, #tpu.memory_space<vmem>> -> memref<6144xf32, #tpu.memory_space<vmem>>
        %dma_start3A_584 = arith.constant 0 : i32
        %dma_start3A_585 = tpu.memref_slice %arg6[%select_n3A, %run_scoped3A_459, %select_n3A_28, %dma_start3A_584] : memref<2x3x8x6144xf32, #tpu.memory_space<vmem_shared>> -> memref<1x1x1x6144xf32, #tpu.memory_space<vmem_shared>>
        %dma_start3A_586 = tpu.memref_squeeze %dma_start3A_585 : memref<1x1x1x6144xf32, #tpu.memory_space<vmem_shared>> -> memref<6144xf32, #tpu.memory_space<vmem_shared>>
        %dma_start3A_587 = arith.constant 67584 : i32
        %dma_start3A_588 = tpu.memref_slice %arg9[%dma_start3A_587] : memref<100096xf32, #tpu.memory_space<vmem>> -> memref<6144xf32, #tpu.memory_space<vmem>>
        %dma_start3A_589 = arith.constant 0 : i32
        %dma_start3A_590 = tpu.memref_slice %arg6[%select_n3A, %run_scoped3A_459, %select_n3A_28, %dma_start3A_589] : memref<2x3x8x6144xf32, #tpu.memory_space<vmem_shared>> -> memref<1x1x1x6144xf32, #tpu.memory_space<vmem_shared>>
        %dma_start3A_591 = tpu.memref_squeeze %dma_start3A_590 : memref<1x1x1x6144xf32, #tpu.memory_space<vmem_shared>> -> memref<6144xf32, #tpu.memory_space<vmem_shared>>
        tpu.enqueue_dma source(%dma_start3A_591 : memref<6144xf32, #tpu.memory_space<vmem_shared>>) target(%dma_start3A_588 : memref<6144xf32, #tpu.memory_space<vmem>>) target_semaphore(%run_scoped3A_581 : memref<!tpu.dma_semaphore, #tpu.memory_space<semaphore_mem>>)
        %dma_wait3A_592 = arith.constant 67584 : i32
        %dma_wait3A_593 = tpu.memref_slice %arg9[%dma_wait3A_592] : memref<100096xf32, #tpu.memory_space<vmem>> -> memref<6144xf32, #tpu.memory_space<vmem>>
        %dma_wait3A_594 = arith.constant 0 : i32
        %dma_wait3A_595 = tpu.memref_slice %arg6[%select_n3A, %run_scoped3A_459, %select_n3A_28, %dma_wait3A_594] : memref<2x3x8x6144xf32, #tpu.memory_space<vmem_shared>> -> memref<1x1x1x6144xf32, #tpu.memory_space<vmem_shared>>
        %dma_wait3A_596 = tpu.memref_squeeze %dma_wait3A_595 : memref<1x1x1x6144xf32, #tpu.memory_space<vmem_shared>> -> memref<6144xf32, #tpu.memory_space<vmem_shared>>
        %dma_wait3A_597 = arith.constant 67584 : i32
        %dma_wait3A_598 = tpu.memref_slice %arg9[%dma_wait3A_597] : memref<100096xf32, #tpu.memory_space<vmem>> -> memref<6144xf32, #tpu.memory_space<vmem>>
        %dma_wait3A_599 = arith.constant 0 : i32
        %dma_wait3A_600 = tpu.memref_slice %arg6[%select_n3A, %run_scoped3A_459, %select_n3A_28, %dma_wait3A_599] : memref<2x3x8x6144xf32, #tpu.memory_space<vmem_shared>> -> memref<1x1x1x6144xf32, #tpu.memory_space<vmem_shared>>
        %dma_wait3A_601 = tpu.memref_squeeze %dma_wait3A_600 : memref<1x1x1x6144xf32, #tpu.memory_space<vmem_shared>> -> memref<6144xf32, #tpu.memory_space<vmem_shared>>
        tpu.wait_dma2 semaphore(%run_scoped3A_581 : memref<!tpu.dma_semaphore, #tpu.memory_space<semaphore_mem>>) src(%dma_wait3A_601 : memref<6144xf32, #tpu.memory_space<vmem_shared>>) dst(%dma_wait3A_598 : memref<6144xf32, #tpu.memory_space<vmem>>)
        tpu.yield
      }) : () -> ()
      %mul3A_460 = arith.constant 768 : i32
      %mul3A_461 = arith.muli %select_n3A_28, %mul3A_460 : i32
      %add3A_462 = arith.constant 73728 : i32
      %add3A_463 = arith.addi %add3A_462, %mul3A_461 : i32
      %mul3A_464 = arith.constant 768 : i32
      %mul3A_465 = arith.muli %select_n3A_28, %mul3A_464 : i32
      %dma_wait3A_466 = arith.constant 0 : i32
      %dma_wait3A_467 = arith.constant 0 : i32
      %dma_wait3A_468 = tpu.memref_slice %arg6[%select_n3A, %dma_wait3A_466, %dma_wait3A_467, %mul3A_465] : memref<2x3x8x6144xf32, #tpu.memory_space<vmem_shared>> -> memref<1x1x8x768xf32, #tpu.memory_space<vmem_shared>>
      %dma_wait3A_469 = tpu.memref_squeeze %dma_wait3A_468 : memref<1x1x8x768xf32, #tpu.memory_space<vmem_shared>> -> memref<8x768xf32, #tpu.memory_space<vmem_shared>>
      %dma_wait3A_470 = tpu.memref_slice %arg3[%select_n3A_131, %multiple_of3A_150, %add3A_463] : memref<26x32x100001xf32, #tpu.memory_space<hbm>> -> memref<1x8x768xf32, #tpu.memory_space<hbm>>
      %dma_wait3A_471 = tpu.memref_squeeze %dma_wait3A_470 : memref<1x8x768xf32, #tpu.memory_space<hbm>> -> memref<8x768xf32, #tpu.memory_space<hbm>>
      tpu.wait_dma2 semaphore(%arg11 : memref<!tpu.dma_semaphore, #tpu.memory_space<semaphore_mem>>) src(%dma_wait3A_471 : memref<8x768xf32, #tpu.memory_space<hbm>>) dst(%dma_wait3A_469 : memref<8x768xf32, #tpu.memory_space<vmem_shared>>)
      %barrier3A_472 = arith.constant 0 : index
      tpu.barrier barrier_id(%barrier3A_472)
      %mul3A_473 = arith.constant 768 : i32
      %mul3A_474 = arith.muli %select_n3A_28, %mul3A_473 : i32
      %add3A_475 = arith.constant 86016 : i32
      %add3A_476 = arith.addi %add3A_475, %mul3A_474 : i32
      %mul3A_477 = arith.constant 768 : i32
      %mul3A_478 = arith.muli %select_n3A_28, %mul3A_477 : i32
      %dma_start3A_479 = arith.constant 2 : i32
      %dma_start3A_480 = arith.constant 0 : i32
      %dma_start3A_481 = tpu.memref_slice %arg6[%select_n3A, %dma_start3A_479, %dma_start3A_480, %mul3A_478] : memref<2x3x8x6144xf32, #tpu.memory_space<vmem_shared>> -> memref<1x1x8x768xf32, #tpu.memory_space<vmem_shared>>
      %dma_start3A_482 = tpu.memref_squeeze %dma_start3A_481 : memref<1x1x8x768xf32, #tpu.memory_space<vmem_shared>> -> memref<8x768xf32, #tpu.memory_space<vmem_shared>>
      %dma_start3A_483 = tpu.memref_slice %arg3[%select_n3A_131, %multiple_of3A_150, %add3A_476] : memref<26x32x100001xf32, #tpu.memory_space<hbm>> -> memref<1x8x768xf32, #tpu.memory_space<hbm>>
      %dma_start3A_484 = tpu.memref_squeeze %dma_start3A_483 : memref<1x8x768xf32, #tpu.memory_space<hbm>> -> memref<8x768xf32, #tpu.memory_space<hbm>>
      tpu.enqueue_dma source(%dma_start3A_484 : memref<8x768xf32, #tpu.memory_space<hbm>>) target(%dma_start3A_482 : memref<8x768xf32, #tpu.memory_space<vmem_shared>>) target_semaphore(%arg11 : memref<!tpu.dma_semaphore, #tpu.memory_space<semaphore_mem>>)
      %run_scoped3A_485 = arith.constant 0 : i32
      "tpu.region"() ({
        %run_scoped3A_581 = tpu.sem_alloc : memref<!tpu.dma_semaphore, #tpu.memory_space<semaphore_mem>>
        %dma_start3A_582 = arith.constant 73728 : i32
        %dma_start3A_583 = tpu.memref_slice %arg9[%dma_start3A_582] : memref<100096xf32, #tpu.memory_space<vmem>> -> memref<6144xf32, #tpu.memory_space<vmem>>
        %dma_start3A_584 = arith.constant 0 : i32
        %dma_start3A_585 = tpu.memref_slice %arg6[%select_n3A, %run_scoped3A_485, %select_n3A_28, %dma_start3A_584] : memref<2x3x8x6144xf32, #tpu.memory_space<vmem_shared>> -> memref<1x1x1x6144xf32, #tpu.memory_space<vmem_shared>>
        %dma_start3A_586 = tpu.memref_squeeze %dma_start3A_585 : memref<1x1x1x6144xf32, #tpu.memory_space<vmem_shared>> -> memref<6144xf32, #tpu.memory_space<vmem_shared>>
        %dma_start3A_587 = arith.constant 73728 : i32
        %dma_start3A_588 = tpu.memref_slice %arg9[%dma_start3A_587] : memref<100096xf32, #tpu.memory_space<vmem>> -> memref<6144xf32, #tpu.memory_space<vmem>>
        %dma_start3A_589 = arith.constant 0 : i32
        %dma_start3A_590 = tpu.memref_slice %arg6[%select_n3A, %run_scoped3A_485, %select_n3A_28, %dma_start3A_589] : memref<2x3x8x6144xf32, #tpu.memory_space<vmem_shared>> -> memref<1x1x1x6144xf32, #tpu.memory_space<vmem_shared>>
        %dma_start3A_591 = tpu.memref_squeeze %dma_start3A_590 : memref<1x1x1x6144xf32, #tpu.memory_space<vmem_shared>> -> memref<6144xf32, #tpu.memory_space<vmem_shared>>
        tpu.enqueue_dma source(%dma_start3A_591 : memref<6144xf32, #tpu.memory_space<vmem_shared>>) target(%dma_start3A_588 : memref<6144xf32, #tpu.memory_space<vmem>>) target_semaphore(%run_scoped3A_581 : memref<!tpu.dma_semaphore, #tpu.memory_space<semaphore_mem>>)
        %dma_wait3A_592 = arith.constant 73728 : i32
        %dma_wait3A_593 = tpu.memref_slice %arg9[%dma_wait3A_592] : memref<100096xf32, #tpu.memory_space<vmem>> -> memref<6144xf32, #tpu.memory_space<vmem>>
        %dma_wait3A_594 = arith.constant 0 : i32
        %dma_wait3A_595 = tpu.memref_slice %arg6[%select_n3A, %run_scoped3A_485, %select_n3A_28, %dma_wait3A_594] : memref<2x3x8x6144xf32, #tpu.memory_space<vmem_shared>> -> memref<1x1x1x6144xf32, #tpu.memory_space<vmem_shared>>
        %dma_wait3A_596 = tpu.memref_squeeze %dma_wait3A_595 : memref<1x1x1x6144xf32, #tpu.memory_space<vmem_shared>> -> memref<6144xf32, #tpu.memory_space<vmem_shared>>
        %dma_wait3A_597 = arith.constant 73728 : i32
        %dma_wait3A_598 = tpu.memref_slice %arg9[%dma_wait3A_597] : memref<100096xf32, #tpu.memory_space<vmem>> -> memref<6144xf32, #tpu.memory_space<vmem>>
        %dma_wait3A_599 = arith.constant 0 : i32
        %dma_wait3A_600 = tpu.memref_slice %arg6[%select_n3A, %run_scoped3A_485, %select_n3A_28, %dma_wait3A_599] : memref<2x3x8x6144xf32, #tpu.memory_space<vmem_shared>> -> memref<1x1x1x6144xf32, #tpu.memory_space<vmem_shared>>
        %dma_wait3A_601 = tpu.memref_squeeze %dma_wait3A_600 : memref<1x1x1x6144xf32, #tpu.memory_space<vmem_shared>> -> memref<6144xf32, #tpu.memory_space<vmem_shared>>
        tpu.wait_dma2 semaphore(%run_scoped3A_581 : memref<!tpu.dma_semaphore, #tpu.memory_space<semaphore_mem>>) src(%dma_wait3A_601 : memref<6144xf32, #tpu.memory_space<vmem_shared>>) dst(%dma_wait3A_598 : memref<6144xf32, #tpu.memory_space<vmem>>)
        tpu.yield
      }) : () -> ()
      %mul3A_486 = arith.constant 768 : i32
      %mul3A_487 = arith.muli %select_n3A_28, %mul3A_486 : i32
      %add3A_488 = arith.constant 79872 : i32
      %add3A_489 = arith.addi %add3A_488, %mul3A_487 : i32
      %mul3A_490 = arith.constant 768 : i32
      %mul3A_491 = arith.muli %select_n3A_28, %mul3A_490 : i32
      %dma_wait3A_492 = arith.constant 1 : i32
      %dma_wait3A_493 = arith.constant 0 : i32
      %dma_wait3A_494 = tpu.memref_slice %arg6[%select_n3A, %dma_wait3A_492, %dma_wait3A_493, %mul3A_491] : memref<2x3x8x6144xf32, #tpu.memory_space<vmem_shared>> -> memref<1x1x8x768xf32, #tpu.memory_space<vmem_shared>>
      %dma_wait3A_495 = tpu.memref_squeeze %dma_wait3A_494 : memref<1x1x8x768xf32, #tpu.memory_space<vmem_shared>> -> memref<8x768xf32, #tpu.memory_space<vmem_shared>>
      %dma_wait3A_496 = tpu.memref_slice %arg3[%select_n3A_131, %multiple_of3A_150, %add3A_489] : memref<26x32x100001xf32, #tpu.memory_space<hbm>> -> memref<1x8x768xf32, #tpu.memory_space<hbm>>
      %dma_wait3A_497 = tpu.memref_squeeze %dma_wait3A_496 : memref<1x8x768xf32, #tpu.memory_space<hbm>> -> memref<8x768xf32, #tpu.memory_space<hbm>>
      tpu.wait_dma2 semaphore(%arg11 : memref<!tpu.dma_semaphore, #tpu.memory_space<semaphore_mem>>) src(%dma_wait3A_497 : memref<8x768xf32, #tpu.memory_space<hbm>>) dst(%dma_wait3A_495 : memref<8x768xf32, #tpu.memory_space<vmem_shared>>)
      %barrier3A_498 = arith.constant 0 : index
      tpu.barrier barrier_id(%barrier3A_498)
      %mul3A_499 = arith.constant 768 : i32
      %mul3A_500 = arith.muli %select_n3A_28, %mul3A_499 : i32
      %add3A_501 = arith.constant 92160 : i32
      %add3A_502 = arith.addi %add3A_501, %mul3A_500 : i32
      %mul3A_503 = arith.constant 768 : i32
      %mul3A_504 = arith.muli %select_n3A_28, %mul3A_503 : i32
      %dma_start3A_505 = arith.constant 0 : i32
      %dma_start3A_506 = arith.constant 0 : i32
      %dma_start3A_507 = tpu.memref_slice %arg6[%select_n3A, %dma_start3A_505, %dma_start3A_506, %mul3A_504] : memref<2x3x8x6144xf32, #tpu.memory_space<vmem_shared>> -> memref<1x1x8x768xf32, #tpu.memory_space<vmem_shared>>
      %dma_start3A_508 = tpu.memref_squeeze %dma_start3A_507 : memref<1x1x8x768xf32, #tpu.memory_space<vmem_shared>> -> memref<8x768xf32, #tpu.memory_space<vmem_shared>>
      %dma_start3A_509 = tpu.memref_slice %arg3[%select_n3A_131, %multiple_of3A_150, %add3A_502] : memref<26x32x100001xf32, #tpu.memory_space<hbm>> -> memref<1x8x768xf32, #tpu.memory_space<hbm>>
      %dma_start3A_510 = tpu.memref_squeeze %dma_start3A_509 : memref<1x8x768xf32, #tpu.memory_space<hbm>> -> memref<8x768xf32, #tpu.memory_space<hbm>>
      tpu.enqueue_dma source(%dma_start3A_510 : memref<8x768xf32, #tpu.memory_space<hbm>>) target(%dma_start3A_508 : memref<8x768xf32, #tpu.memory_space<vmem_shared>>) target_semaphore(%arg11 : memref<!tpu.dma_semaphore, #tpu.memory_space<semaphore_mem>>)
      %run_scoped3A_511 = arith.constant 1 : i32
      "tpu.region"() ({
        %run_scoped3A_581 = tpu.sem_alloc : memref<!tpu.dma_semaphore, #tpu.memory_space<semaphore_mem>>
        %dma_start3A_582 = arith.constant 79872 : i32
        %dma_start3A_583 = tpu.memref_slice %arg9[%dma_start3A_582] : memref<100096xf32, #tpu.memory_space<vmem>> -> memref<6144xf32, #tpu.memory_space<vmem>>
        %dma_start3A_584 = arith.constant 0 : i32
        %dma_start3A_585 = tpu.memref_slice %arg6[%select_n3A, %run_scoped3A_511, %select_n3A_28, %dma_start3A_584] : memref<2x3x8x6144xf32, #tpu.memory_space<vmem_shared>> -> memref<1x1x1x6144xf32, #tpu.memory_space<vmem_shared>>
        %dma_start3A_586 = tpu.memref_squeeze %dma_start3A_585 : memref<1x1x1x6144xf32, #tpu.memory_space<vmem_shared>> -> memref<6144xf32, #tpu.memory_space<vmem_shared>>
        %dma_start3A_587 = arith.constant 79872 : i32
        %dma_start3A_588 = tpu.memref_slice %arg9[%dma_start3A_587] : memref<100096xf32, #tpu.memory_space<vmem>> -> memref<6144xf32, #tpu.memory_space<vmem>>
        %dma_start3A_589 = arith.constant 0 : i32
        %dma_start3A_590 = tpu.memref_slice %arg6[%select_n3A, %run_scoped3A_511, %select_n3A_28, %dma_start3A_589] : memref<2x3x8x6144xf32, #tpu.memory_space<vmem_shared>> -> memref<1x1x1x6144xf32, #tpu.memory_space<vmem_shared>>
        %dma_start3A_591 = tpu.memref_squeeze %dma_start3A_590 : memref<1x1x1x6144xf32, #tpu.memory_space<vmem_shared>> -> memref<6144xf32, #tpu.memory_space<vmem_shared>>
        tpu.enqueue_dma source(%dma_start3A_591 : memref<6144xf32, #tpu.memory_space<vmem_shared>>) target(%dma_start3A_588 : memref<6144xf32, #tpu.memory_space<vmem>>) target_semaphore(%run_scoped3A_581 : memref<!tpu.dma_semaphore, #tpu.memory_space<semaphore_mem>>)
        %dma_wait3A_592 = arith.constant 79872 : i32
        %dma_wait3A_593 = tpu.memref_slice %arg9[%dma_wait3A_592] : memref<100096xf32, #tpu.memory_space<vmem>> -> memref<6144xf32, #tpu.memory_space<vmem>>
        %dma_wait3A_594 = arith.constant 0 : i32
        %dma_wait3A_595 = tpu.memref_slice %arg6[%select_n3A, %run_scoped3A_511, %select_n3A_28, %dma_wait3A_594] : memref<2x3x8x6144xf32, #tpu.memory_space<vmem_shared>> -> memref<1x1x1x6144xf32, #tpu.memory_space<vmem_shared>>
        %dma_wait3A_596 = tpu.memref_squeeze %dma_wait3A_595 : memref<1x1x1x6144xf32, #tpu.memory_space<vmem_shared>> -> memref<6144xf32, #tpu.memory_space<vmem_shared>>
        %dma_wait3A_597 = arith.constant 79872 : i32
        %dma_wait3A_598 = tpu.memref_slice %arg9[%dma_wait3A_597] : memref<100096xf32, #tpu.memory_space<vmem>> -> memref<6144xf32, #tpu.memory_space<vmem>>
        %dma_wait3A_599 = arith.constant 0 : i32
        %dma_wait3A_600 = tpu.memref_slice %arg6[%select_n3A, %run_scoped3A_511, %select_n3A_28, %dma_wait3A_599] : memref<2x3x8x6144xf32, #tpu.memory_space<vmem_shared>> -> memref<1x1x1x6144xf32, #tpu.memory_space<vmem_shared>>
        %dma_wait3A_601 = tpu.memref_squeeze %dma_wait3A_600 : memref<1x1x1x6144xf32, #tpu.memory_space<vmem_shared>> -> memref<6144xf32, #tpu.memory_space<vmem_shared>>
        tpu.wait_dma2 semaphore(%run_scoped3A_581 : memref<!tpu.dma_semaphore, #tpu.memory_space<semaphore_mem>>) src(%dma_wait3A_601 : memref<6144xf32, #tpu.memory_space<vmem_shared>>) dst(%dma_wait3A_598 : memref<6144xf32, #tpu.memory_space<vmem>>)
        tpu.yield
      }) : () -> ()
      %mul3A_512 = arith.constant 768 : i32
      %mul3A_513 = arith.muli %select_n3A_28, %mul3A_512 : i32
      %add3A_514 = arith.constant 86016 : i32
      %add3A_515 = arith.addi %add3A_514, %mul3A_513 : i32
      %mul3A_516 = arith.constant 768 : i32
      %mul3A_517 = arith.muli %select_n3A_28, %mul3A_516 : i32
      %dma_wait3A_518 = arith.constant 2 : i32
      %dma_wait3A_519 = arith.constant 0 : i32
      %dma_wait3A_520 = tpu.memref_slice %arg6[%select_n3A, %dma_wait3A_518, %dma_wait3A_519, %mul3A_517] : memref<2x3x8x6144xf32, #tpu.memory_space<vmem_shared>> -> memref<1x1x8x768xf32, #tpu.memory_space<vmem_shared>>
      %dma_wait3A_521 = tpu.memref_squeeze %dma_wait3A_520 : memref<1x1x8x768xf32, #tpu.memory_space<vmem_shared>> -> memref<8x768xf32, #tpu.memory_space<vmem_shared>>
      %dma_wait3A_522 = tpu.memref_slice %arg3[%select_n3A_131, %multiple_of3A_150, %add3A_515] : memref<26x32x100001xf32, #tpu.memory_space<hbm>> -> memref<1x8x768xf32, #tpu.memory_space<hbm>>
      %dma_wait3A_523 = tpu.memref_squeeze %dma_wait3A_522 : memref<1x8x768xf32, #tpu.memory_space<hbm>> -> memref<8x768xf32, #tpu.memory_space<hbm>>
      tpu.wait_dma2 semaphore(%arg11 : memref<!tpu.dma_semaphore, #tpu.memory_space<semaphore_mem>>) src(%dma_wait3A_523 : memref<8x768xf32, #tpu.memory_space<hbm>>) dst(%dma_wait3A_521 : memref<8x768xf32, #tpu.memory_space<vmem_shared>>)
      %barrier3A_524 = arith.constant 0 : index
      tpu.barrier barrier_id(%barrier3A_524)
      %eq3A_525 = arith.constant 0 : i32
      %eq3A_526 = arith.cmpi eq, %select_n3A_28, %eq3A_525 : i32
      %convert_element_type3A = arith.extui %eq3A_526 : i1 to i32
      %cond3A = arith.constant 0 : i32
      %cond3A_527 = arith.cmpi ne, %convert_element_type3A, %cond3A : i32
      scf.if %cond3A_527 {
        %dma_start3A_581 = arith.constant 1 : i32
        %dma_start3A_582 = arith.constant 0 : i32
        %dma_start3A_583 = arith.constant 0 : i32
        %dma_start3A_584 = tpu.memref_slice %arg6[%select_n3A, %dma_start3A_581, %dma_start3A_582, %dma_start3A_583] : memref<2x3x8x6144xf32, #tpu.memory_space<vmem_shared>> -> memref<1x1x8x1664xf32, #tpu.memory_space<vmem_shared>>
        %dma_start3A_585 = tpu.memref_squeeze %dma_start3A_584 : memref<1x1x8x1664xf32, #tpu.memory_space<vmem_shared>> -> memref<8x1664xf32, #tpu.memory_space<vmem_shared>>
        %dma_start3A_586 = arith.constant 98304 : i32
        %dma_start3A_587 = tpu.memref_slice %arg3[%select_n3A_131, %multiple_of3A_150, %dma_start3A_586] : memref<26x32x100001xf32, #tpu.memory_space<hbm>> -> memref<1x8x1664xf32, #tpu.memory_space<hbm>>
        %dma_start3A_588 = tpu.memref_squeeze %dma_start3A_587 : memref<1x8x1664xf32, #tpu.memory_space<hbm>> -> memref<8x1664xf32, #tpu.memory_space<hbm>>
        tpu.enqueue_dma source(%dma_start3A_588 : memref<8x1664xf32, #tpu.memory_space<hbm>>) target(%dma_start3A_585 : memref<8x1664xf32, #tpu.memory_space<vmem_shared>>) target_semaphore(%arg11 : memref<!tpu.dma_semaphore, #tpu.memory_space<semaphore_mem>>)
      } else {
      }
      %eq3A_528 = arith.constant 1 : i32
      %eq3A_529 = arith.cmpi eq, %select_n3A_28, %eq3A_528 : i32
      %convert_element_type3A_530 = arith.extui %eq3A_529 : i1 to i32
      %cond3A_531 = arith.constant 0 : i32
      %cond3A_532 = arith.cmpi ne, %convert_element_type3A_530, %cond3A_531 : i32
      scf.if %cond3A_532 {
        %dma_start3A_581 = arith.constant 1 : i32
        %dma_start3A_582 = arith.constant 0 : i32
        %dma_start3A_583 = arith.constant 1664 : i32
        %dma_start3A_584 = tpu.memref_slice %arg6[%select_n3A, %dma_start3A_581, %dma_start3A_582, %dma_start3A_583] : memref<2x3x8x6144xf32, #tpu.memory_space<vmem_shared>> -> memref<1x1x8x128xf32, #tpu.memory_space<vmem_shared>>
        %dma_start3A_585 = tpu.memref_squeeze %dma_start3A_584 : memref<1x1x8x128xf32, #tpu.memory_space<vmem_shared>> -> memref<8x128xf32, #tpu.memory_space<vmem_shared>>
        %dma_start3A_586 = arith.constant 0 : i32
        %dma_start3A_587 = tpu.memref_slice %arg4[%select_n3A_131, %multiple_of3A_150, %dma_start3A_586] : memref<26x32x128xf32, #tpu.memory_space<hbm>> -> memref<1x8x128xf32, #tpu.memory_space<hbm>>
        %dma_start3A_588 = tpu.memref_squeeze %dma_start3A_587 : memref<1x8x128xf32, #tpu.memory_space<hbm>> -> memref<8x128xf32, #tpu.memory_space<hbm>>
        tpu.enqueue_dma source(%dma_start3A_588 : memref<8x128xf32, #tpu.memory_space<hbm>>) target(%dma_start3A_585 : memref<8x128xf32, #tpu.memory_space<vmem_shared>>) target_semaphore(%arg11 : memref<!tpu.dma_semaphore, #tpu.memory_space<semaphore_mem>>)
      } else {
      }
      %run_scoped3A_533 = arith.constant 2 : i32
      "tpu.region"() ({
        %run_scoped3A_581 = tpu.sem_alloc : memref<!tpu.dma_semaphore, #tpu.memory_space<semaphore_mem>>
        %dma_start3A_582 = arith.constant 86016 : i32
        %dma_start3A_583 = tpu.memref_slice %arg9[%dma_start3A_582] : memref<100096xf32, #tpu.memory_space<vmem>> -> memref<6144xf32, #tpu.memory_space<vmem>>
        %dma_start3A_584 = arith.constant 0 : i32
        %dma_start3A_585 = tpu.memref_slice %arg6[%select_n3A, %run_scoped3A_533, %select_n3A_28, %dma_start3A_584] : memref<2x3x8x6144xf32, #tpu.memory_space<vmem_shared>> -> memref<1x1x1x6144xf32, #tpu.memory_space<vmem_shared>>
        %dma_start3A_586 = tpu.memref_squeeze %dma_start3A_585 : memref<1x1x1x6144xf32, #tpu.memory_space<vmem_shared>> -> memref<6144xf32, #tpu.memory_space<vmem_shared>>
        %dma_start3A_587 = arith.constant 86016 : i32
        %dma_start3A_588 = tpu.memref_slice %arg9[%dma_start3A_587] : memref<100096xf32, #tpu.memory_space<vmem>> -> memref<6144xf32, #tpu.memory_space<vmem>>
        %dma_start3A_589 = arith.constant 0 : i32
        %dma_start3A_590 = tpu.memref_slice %arg6[%select_n3A, %run_scoped3A_533, %select_n3A_28, %dma_start3A_589] : memref<2x3x8x6144xf32, #tpu.memory_space<vmem_shared>> -> memref<1x1x1x6144xf32, #tpu.memory_space<vmem_shared>>
        %dma_start3A_591 = tpu.memref_squeeze %dma_start3A_590 : memref<1x1x1x6144xf32, #tpu.memory_space<vmem_shared>> -> memref<6144xf32, #tpu.memory_space<vmem_shared>>
        tpu.enqueue_dma source(%dma_start3A_591 : memref<6144xf32, #tpu.memory_space<vmem_shared>>) target(%dma_start3A_588 : memref<6144xf32, #tpu.memory_space<vmem>>) target_semaphore(%run_scoped3A_581 : memref<!tpu.dma_semaphore, #tpu.memory_space<semaphore_mem>>)
        %dma_wait3A_592 = arith.constant 86016 : i32
        %dma_wait3A_593 = tpu.memref_slice %arg9[%dma_wait3A_592] : memref<100096xf32, #tpu.memory_space<vmem>> -> memref<6144xf32, #tpu.memory_space<vmem>>
        %dma_wait3A_594 = arith.constant 0 : i32
        %dma_wait3A_595 = tpu.memref_slice %arg6[%select_n3A, %run_scoped3A_533, %select_n3A_28, %dma_wait3A_594] : memref<2x3x8x6144xf32, #tpu.memory_space<vmem_shared>> -> memref<1x1x1x6144xf32, #tpu.memory_space<vmem_shared>>
        %dma_wait3A_596 = tpu.memref_squeeze %dma_wait3A_595 : memref<1x1x1x6144xf32, #tpu.memory_space<vmem_shared>> -> memref<6144xf32, #tpu.memory_space<vmem_shared>>
        %dma_wait3A_597 = arith.constant 86016 : i32
        %dma_wait3A_598 = tpu.memref_slice %arg9[%dma_wait3A_597] : memref<100096xf32, #tpu.memory_space<vmem>> -> memref<6144xf32, #tpu.memory_space<vmem>>
        %dma_wait3A_599 = arith.constant 0 : i32
        %dma_wait3A_600 = tpu.memref_slice %arg6[%select_n3A, %run_scoped3A_533, %select_n3A_28, %dma_wait3A_599] : memref<2x3x8x6144xf32, #tpu.memory_space<vmem_shared>> -> memref<1x1x1x6144xf32, #tpu.memory_space<vmem_shared>>
        %dma_wait3A_601 = tpu.memref_squeeze %dma_wait3A_600 : memref<1x1x1x6144xf32, #tpu.memory_space<vmem_shared>> -> memref<6144xf32, #tpu.memory_space<vmem_shared>>
        tpu.wait_dma2 semaphore(%run_scoped3A_581 : memref<!tpu.dma_semaphore, #tpu.memory_space<semaphore_mem>>) src(%dma_wait3A_601 : memref<6144xf32, #tpu.memory_space<vmem_shared>>) dst(%dma_wait3A_598 : memref<6144xf32, #tpu.memory_space<vmem>>)
        tpu.yield
      }) : () -> ()
      %mul3A_534 = arith.constant 768 : i32
      %mul3A_535 = arith.muli %select_n3A_28, %mul3A_534 : i32
      %add3A_536 = arith.constant 92160 : i32
      %add3A_537 = arith.addi %add3A_536, %mul3A_535 : i32
      %mul3A_538 = arith.constant 768 : i32
      %mul3A_539 = arith.muli %select_n3A_28, %mul3A_538 : i32
      %dma_wait3A_540 = arith.constant 0 : i32
      %dma_wait3A_541 = arith.constant 0 : i32
      %dma_wait3A_542 = tpu.memref_slice %arg6[%select_n3A, %dma_wait3A_540, %dma_wait3A_541, %mul3A_539] : memref<2x3x8x6144xf32, #tpu.memory_space<vmem_shared>> -> memref<1x1x8x768xf32, #tpu.memory_space<vmem_shared>>
      %dma_wait3A_543 = tpu.memref_squeeze %dma_wait3A_542 : memref<1x1x8x768xf32, #tpu.memory_space<vmem_shared>> -> memref<8x768xf32, #tpu.memory_space<vmem_shared>>
      %dma_wait3A_544 = tpu.memref_slice %arg3[%select_n3A_131, %multiple_of3A_150, %add3A_537] : memref<26x32x100001xf32, #tpu.memory_space<hbm>> -> memref<1x8x768xf32, #tpu.memory_space<hbm>>
      %dma_wait3A_545 = tpu.memref_squeeze %dma_wait3A_544 : memref<1x8x768xf32, #tpu.memory_space<hbm>> -> memref<8x768xf32, #tpu.memory_space<hbm>>
      tpu.wait_dma2 semaphore(%arg11 : memref<!tpu.dma_semaphore, #tpu.memory_space<semaphore_mem>>) src(%dma_wait3A_545 : memref<8x768xf32, #tpu.memory_space<hbm>>) dst(%dma_wait3A_543 : memref<8x768xf32, #tpu.memory_space<vmem_shared>>)
      %barrier3A_546 = arith.constant 0 : index
      tpu.barrier barrier_id(%barrier3A_546)
      %run_scoped3A_547 = arith.constant 0 : i32
      "tpu.region"() ({
        %run_scoped3A_581 = tpu.sem_alloc : memref<!tpu.dma_semaphore, #tpu.memory_space<semaphore_mem>>
        %dma_start3A_582 = arith.constant 92160 : i32
        %dma_start3A_583 = tpu.memref_slice %arg9[%dma_start3A_582] : memref<100096xf32, #tpu.memory_space<vmem>> -> memref<6144xf32, #tpu.memory_space<vmem>>
        %dma_start3A_584 = arith.constant 0 : i32
        %dma_start3A_585 = tpu.memref_slice %arg6[%select_n3A, %run_scoped3A_547, %select_n3A_28, %dma_start3A_584] : memref<2x3x8x6144xf32, #tpu.memory_space<vmem_shared>> -> memref<1x1x1x6144xf32, #tpu.memory_space<vmem_shared>>
        %dma_start3A_586 = tpu.memref_squeeze %dma_start3A_585 : memref<1x1x1x6144xf32, #tpu.memory_space<vmem_shared>> -> memref<6144xf32, #tpu.memory_space<vmem_shared>>
        %dma_start3A_587 = arith.constant 92160 : i32
        %dma_start3A_588 = tpu.memref_slice %arg9[%dma_start3A_587] : memref<100096xf32, #tpu.memory_space<vmem>> -> memref<6144xf32, #tpu.memory_space<vmem>>
        %dma_start3A_589 = arith.constant 0 : i32
        %dma_start3A_590 = tpu.memref_slice %arg6[%select_n3A, %run_scoped3A_547, %select_n3A_28, %dma_start3A_589] : memref<2x3x8x6144xf32, #tpu.memory_space<vmem_shared>> -> memref<1x1x1x6144xf32, #tpu.memory_space<vmem_shared>>
        %dma_start3A_591 = tpu.memref_squeeze %dma_start3A_590 : memref<1x1x1x6144xf32, #tpu.memory_space<vmem_shared>> -> memref<6144xf32, #tpu.memory_space<vmem_shared>>
        tpu.enqueue_dma source(%dma_start3A_591 : memref<6144xf32, #tpu.memory_space<vmem_shared>>) target(%dma_start3A_588 : memref<6144xf32, #tpu.memory_space<vmem>>) target_semaphore(%run_scoped3A_581 : memref<!tpu.dma_semaphore, #tpu.memory_space<semaphore_mem>>)
        %dma_wait3A_592 = arith.constant 92160 : i32
        %dma_wait3A_593 = tpu.memref_slice %arg9[%dma_wait3A_592] : memref<100096xf32, #tpu.memory_space<vmem>> -> memref<6144xf32, #tpu.memory_space<vmem>>
        %dma_wait3A_594 = arith.constant 0 : i32
        %dma_wait3A_595 = tpu.memref_slice %arg6[%select_n3A, %run_scoped3A_547, %select_n3A_28, %dma_wait3A_594] : memref<2x3x8x6144xf32, #tpu.memory_space<vmem_shared>> -> memref<1x1x1x6144xf32, #tpu.memory_space<vmem_shared>>
        %dma_wait3A_596 = tpu.memref_squeeze %dma_wait3A_595 : memref<1x1x1x6144xf32, #tpu.memory_space<vmem_shared>> -> memref<6144xf32, #tpu.memory_space<vmem_shared>>
        %dma_wait3A_597 = arith.constant 92160 : i32
        %dma_wait3A_598 = tpu.memref_slice %arg9[%dma_wait3A_597] : memref<100096xf32, #tpu.memory_space<vmem>> -> memref<6144xf32, #tpu.memory_space<vmem>>
        %dma_wait3A_599 = arith.constant 0 : i32
        %dma_wait3A_600 = tpu.memref_slice %arg6[%select_n3A, %run_scoped3A_547, %select_n3A_28, %dma_wait3A_599] : memref<2x3x8x6144xf32, #tpu.memory_space<vmem_shared>> -> memref<1x1x1x6144xf32, #tpu.memory_space<vmem_shared>>
        %dma_wait3A_601 = tpu.memref_squeeze %dma_wait3A_600 : memref<1x1x1x6144xf32, #tpu.memory_space<vmem_shared>> -> memref<6144xf32, #tpu.memory_space<vmem_shared>>
        tpu.wait_dma2 semaphore(%run_scoped3A_581 : memref<!tpu.dma_semaphore, #tpu.memory_space<semaphore_mem>>) src(%dma_wait3A_601 : memref<6144xf32, #tpu.memory_space<vmem_shared>>) dst(%dma_wait3A_598 : memref<6144xf32, #tpu.memory_space<vmem>>)
        tpu.yield
      }) : () -> ()
      %eq3A_548 = arith.constant 0 : i32
      %eq3A_549 = arith.cmpi eq, %select_n3A_28, %eq3A_548 : i32
      %convert_element_type3A_550 = arith.extui %eq3A_549 : i1 to i32
      %cond3A_551 = arith.constant 0 : i32
      %cond3A_552 = arith.cmpi ne, %convert_element_type3A_550, %cond3A_551 : i32
      scf.if %cond3A_552 {
        %dma_wait3A_581 = arith.constant 1 : i32
        %dma_wait3A_582 = arith.constant 0 : i32
        %dma_wait3A_583 = arith.constant 0 : i32
        %dma_wait3A_584 = tpu.memref_slice %arg6[%select_n3A, %dma_wait3A_581, %dma_wait3A_582, %dma_wait3A_583] : memref<2x3x8x6144xf32, #tpu.memory_space<vmem_shared>> -> memref<1x1x8x1664xf32, #tpu.memory_space<vmem_shared>>
        %dma_wait3A_585 = tpu.memref_squeeze %dma_wait3A_584 : memref<1x1x8x1664xf32, #tpu.memory_space<vmem_shared>> -> memref<8x1664xf32, #tpu.memory_space<vmem_shared>>
        %dma_wait3A_586 = arith.constant 98304 : i32
        %dma_wait3A_587 = tpu.memref_slice %arg3[%select_n3A_131, %multiple_of3A_150, %dma_wait3A_586] : memref<26x32x100001xf32, #tpu.memory_space<hbm>> -> memref<1x8x1664xf32, #tpu.memory_space<hbm>>
        %dma_wait3A_588 = tpu.memref_squeeze %dma_wait3A_587 : memref<1x8x1664xf32, #tpu.memory_space<hbm>> -> memref<8x1664xf32, #tpu.memory_space<hbm>>
        tpu.wait_dma2 semaphore(%arg11 : memref<!tpu.dma_semaphore, #tpu.memory_space<semaphore_mem>>) src(%dma_wait3A_588 : memref<8x1664xf32, #tpu.memory_space<hbm>>) dst(%dma_wait3A_585 : memref<8x1664xf32, #tpu.memory_space<vmem_shared>>)
      } else {
      }
      %eq3A_553 = arith.constant 1 : i32
      %eq3A_554 = arith.cmpi eq, %select_n3A_28, %eq3A_553 : i32
      %convert_element_type3A_555 = arith.extui %eq3A_554 : i1 to i32
      %cond3A_556 = arith.constant 0 : i32
      %cond3A_557 = arith.cmpi ne, %convert_element_type3A_555, %cond3A_556 : i32
      scf.if %cond3A_557 {
        %dma_wait3A_581 = arith.constant 1 : i32
        %dma_wait3A_582 = arith.constant 0 : i32
        %dma_wait3A_583 = arith.constant 1664 : i32
        %dma_wait3A_584 = tpu.memref_slice %arg6[%select_n3A, %dma_wait3A_581, %dma_wait3A_582, %dma_wait3A_583] : memref<2x3x8x6144xf32, #tpu.memory_space<vmem_shared>> -> memref<1x1x8x128xf32, #tpu.memory_space<vmem_shared>>
        %dma_wait3A_585 = tpu.memref_squeeze %dma_wait3A_584 : memref<1x1x8x128xf32, #tpu.memory_space<vmem_shared>> -> memref<8x128xf32, #tpu.memory_space<vmem_shared>>
        %dma_wait3A_586 = arith.constant 0 : i32
        %dma_wait3A_587 = tpu.memref_slice %arg4[%select_n3A_131, %multiple_of3A_150, %dma_wait3A_586] : memref<26x32x128xf32, #tpu.memory_space<hbm>> -> memref<1x8x128xf32, #tpu.memory_space<hbm>>
        %dma_wait3A_588 = tpu.memref_squeeze %dma_wait3A_587 : memref<1x8x128xf32, #tpu.memory_space<hbm>> -> memref<8x128xf32, #tpu.memory_space<hbm>>
        tpu.wait_dma2 semaphore(%arg11 : memref<!tpu.dma_semaphore, #tpu.memory_space<semaphore_mem>>) src(%dma_wait3A_588 : memref<8x128xf32, #tpu.memory_space<hbm>>) dst(%dma_wait3A_585 : memref<8x128xf32, #tpu.memory_space<vmem_shared>>)
      } else {
      }
      %barrier3A_558 = arith.constant 0 : index
      tpu.barrier barrier_id(%barrier3A_558)
      %run_scoped3A_559 = arith.constant 1 : i32
      "tpu.region"() ({
        %run_scoped3A_581 = tpu.sem_alloc : memref<!tpu.dma_semaphore, #tpu.memory_space<semaphore_mem>>
        %dma_start3A_582 = arith.constant 98304 : i32
        %dma_start3A_583 = tpu.memref_slice %arg9[%dma_start3A_582] : memref<100096xf32, #tpu.memory_space<vmem>> -> memref<1792xf32, #tpu.memory_space<vmem>>
        %dma_start3A_584 = arith.constant 0 : i32
        %dma_start3A_585 = tpu.memref_slice %arg6[%select_n3A, %run_scoped3A_559, %select_n3A_28, %dma_start3A_584] : memref<2x3x8x6144xf32, #tpu.memory_space<vmem_shared>> -> memref<1x1x1x1792xf32, #tpu.memory_space<vmem_shared>>
        %dma_start3A_586 = tpu.memref_squeeze %dma_start3A_585 : memref<1x1x1x1792xf32, #tpu.memory_space<vmem_shared>> -> memref<1792xf32, #tpu.memory_space<vmem_shared>>
        %dma_start3A_587 = arith.constant 98304 : i32
        %dma_start3A_588 = tpu.memref_slice %arg9[%dma_start3A_587] : memref<100096xf32, #tpu.memory_space<vmem>> -> memref<1792xf32, #tpu.memory_space<vmem>>
        %dma_start3A_589 = arith.constant 0 : i32
        %dma_start3A_590 = tpu.memref_slice %arg6[%select_n3A, %run_scoped3A_559, %select_n3A_28, %dma_start3A_589] : memref<2x3x8x6144xf32, #tpu.memory_space<vmem_shared>> -> memref<1x1x1x1792xf32, #tpu.memory_space<vmem_shared>>
        %dma_start3A_591 = tpu.memref_squeeze %dma_start3A_590 : memref<1x1x1x1792xf32, #tpu.memory_space<vmem_shared>> -> memref<1792xf32, #tpu.memory_space<vmem_shared>>
        tpu.enqueue_dma source(%dma_start3A_591 : memref<1792xf32, #tpu.memory_space<vmem_shared>>) target(%dma_start3A_588 : memref<1792xf32, #tpu.memory_space<vmem>>) target_semaphore(%run_scoped3A_581 : memref<!tpu.dma_semaphore, #tpu.memory_space<semaphore_mem>>)
        %dma_wait3A_592 = arith.constant 98304 : i32
        %dma_wait3A_593 = tpu.memref_slice %arg9[%dma_wait3A_592] : memref<100096xf32, #tpu.memory_space<vmem>> -> memref<1792xf32, #tpu.memory_space<vmem>>
        %dma_wait3A_594 = arith.constant 0 : i32
        %dma_wait3A_595 = tpu.memref_slice %arg6[%select_n3A, %run_scoped3A_559, %select_n3A_28, %dma_wait3A_594] : memref<2x3x8x6144xf32, #tpu.memory_space<vmem_shared>> -> memref<1x1x1x1792xf32, #tpu.memory_space<vmem_shared>>
        %dma_wait3A_596 = tpu.memref_squeeze %dma_wait3A_595 : memref<1x1x1x1792xf32, #tpu.memory_space<vmem_shared>> -> memref<1792xf32, #tpu.memory_space<vmem_shared>>
        %dma_wait3A_597 = arith.constant 98304 : i32
        %dma_wait3A_598 = tpu.memref_slice %arg9[%dma_wait3A_597] : memref<100096xf32, #tpu.memory_space<vmem>> -> memref<1792xf32, #tpu.memory_space<vmem>>
        %dma_wait3A_599 = arith.constant 0 : i32
        %dma_wait3A_600 = tpu.memref_slice %arg6[%select_n3A, %run_scoped3A_559, %select_n3A_28, %dma_wait3A_599] : memref<2x3x8x6144xf32, #tpu.memory_space<vmem_shared>> -> memref<1x1x1x1792xf32, #tpu.memory_space<vmem_shared>>
        %dma_wait3A_601 = tpu.memref_squeeze %dma_wait3A_600 : memref<1x1x1x1792xf32, #tpu.memory_space<vmem_shared>> -> memref<1792xf32, #tpu.memory_space<vmem_shared>>
        tpu.wait_dma2 semaphore(%run_scoped3A_581 : memref<!tpu.dma_semaphore, #tpu.memory_space<semaphore_mem>>) src(%dma_wait3A_601 : memref<1792xf32, #tpu.memory_space<vmem_shared>>) dst(%dma_wait3A_598 : memref<1792xf32, #tpu.memory_space<vmem>>)
        tpu.yield
      }) : () -> ()
      %barrier3A_560 = arith.constant 0 : index
      tpu.barrier barrier_id(%barrier3A_560)
      %add3A_561 = arith.constant 1 : i32
      %add3A_562 = arith.addi %scan3A_101, %add3A_561 : i32
      %lt3A_563 = arith.constant 26 : i32
      %lt3A_564 = arith.cmpi slt, %add3A_562, %lt3A_563 : i32
      %convert_element_type3A_565 = arith.extui %lt3A_564 : i1 to i32
      %cond3A_566 = arith.constant 0 : i32
      %cond3A_567 = arith.cmpi ne, %convert_element_type3A_565, %cond3A_566 : i32
      scf.if %cond3A_567 {
        %add3A_581 = arith.constant 2 : i32
        %add3A_582 = arith.addi %add3A_107, %add3A_581 : i32
        %jit3A_583 = arith.constant 4 : i32
        %div3A_584 = arith.divsi %add3A_582, %jit3A_583 : i32
        %sign3A_585 = arith.constant 0 : i32
        %sign3A_586 = arith.cmpi sgt, %add3A_582, %sign3A_585 : i32
        %sign3A_587 = arith.extui %sign3A_586 : i1 to i32
        %sign3A_588 = arith.constant 0 : i32
        %sign3A_589 = arith.cmpi slt, %add3A_582, %sign3A_588 : i32
        %sign3A_590 = arith.extui %sign3A_589 : i1 to i32
        %sign3A_591 = arith.subi %sign3A_587, %sign3A_590 : i32
        %sign3A_592 = arith.constant 0 : i32
        %sign3A_593 = arith.cmpi sgt, %jit3A_583, %sign3A_592 : i32
        %sign3A_594 = arith.extui %sign3A_593 : i1 to i32
        %sign3A_595 = arith.constant 0 : i32
        %sign3A_596 = arith.cmpi slt, %jit3A_583, %sign3A_595 : i32
        %sign3A_597 = arith.extui %sign3A_596 : i1 to i32
        %sign3A_598 = arith.subi %sign3A_594, %sign3A_597 : i32
        %ne3A_599 = arith.cmpi ne, %sign3A_591, %sign3A_598 : i32
        %rem3A_600 = arith.remsi %add3A_582, %jit3A_583 : i32
        %ne3A_601 = arith.constant 0 : i32
        %ne3A_602 = arith.cmpi ne, %rem3A_600, %ne3A_601 : i32
        %and3A_603 = arith.andi %ne3A_599, %ne3A_602 : i1
        %sub3A_604 = arith.constant 1 : i32
        %sub3A_605 = arith.subi %div3A_584, %sub3A_604 : i32
        %select_n3A_606 = arith.select %and3A_603, %sub3A_605, %div3A_584 : i32
        %jit3A_607 = arith.constant 4 : i32
        %eq3A_608 = arith.constant 0 : i32
        %eq3A_609 = arith.cmpi eq, %jit3A_607, %eq3A_608 : i32
        %jit3A_610 = arith.constant 1 : i32
        %select_n3A_611 = arith.select %eq3A_609, %jit3A_610, %jit3A_607 : i32
        %rem3A_612 = arith.remsi %add3A_582, %select_n3A_611 : i32
        %ne3A_613 = arith.constant 0 : i32
        %ne3A_614 = arith.cmpi ne, %rem3A_612, %ne3A_613 : i32
        %lt3A_615 = arith.constant 0 : i32
        %lt3A_616 = arith.cmpi slt, %rem3A_612, %lt3A_615 : i32
        %lt3A_617 = arith.constant 0 : i32
        %lt3A_618 = arith.cmpi slt, %select_n3A_611, %lt3A_617 : i32
        %ne3A_619 = arith.xori %lt3A_616, %lt3A_618 : i1
        %and3A_620 = arith.andi %ne3A_619, %ne3A_614 : i1
        %add3A_621 = arith.addi %rem3A_612, %select_n3A_611 : i32
        %select_n3A_622 = arith.select %and3A_620, %add3A_621, %rem3A_612 : i32
        %mul3A_623 = arith.constant 8 : i32
        %mul3A_624 = arith.muli %select_n3A_622, %mul3A_623 : i32
        %multiple_of3A_625 = tpu.assume_multiple %mul3A_624, 8 : i32
        %mul3A_626 = arith.constant 768 : i32
        %mul3A_627 = arith.muli %select_n3A_28, %mul3A_626 : i32
        %add3A_628 = arith.constant 0 : i32
        %add3A_629 = arith.addi %add3A_628, %mul3A_627 : i32
        %mul3A_630 = arith.constant 768 : i32
        %mul3A_631 = arith.muli %select_n3A_28, %mul3A_630 : i32
        %dma_start3A_632 = arith.constant 0 : i32
        %dma_start3A_633 = arith.constant 0 : i32
        %dma_start3A_634 = tpu.memref_slice %arg6[%select_n3A, %dma_start3A_632, %dma_start3A_633, %mul3A_631] : memref<2x3x8x6144xf32, #tpu.memory_space<vmem_shared>> -> memref<1x1x8x768xf32, #tpu.memory_space<vmem_shared>>
        %dma_start3A_635 = tpu.memref_squeeze %dma_start3A_634 : memref<1x1x8x768xf32, #tpu.memory_space<vmem_shared>> -> memref<8x768xf32, #tpu.memory_space<vmem_shared>>
        %dma_start3A_636 = tpu.memref_slice %arg3[%select_n3A_606, %multiple_of3A_625, %add3A_629] : memref<26x32x100001xf32, #tpu.memory_space<hbm>> -> memref<1x8x768xf32, #tpu.memory_space<hbm>>
        %dma_start3A_637 = tpu.memref_squeeze %dma_start3A_636 : memref<1x8x768xf32, #tpu.memory_space<hbm>> -> memref<8x768xf32, #tpu.memory_space<hbm>>
        tpu.enqueue_dma source(%dma_start3A_637 : memref<8x768xf32, #tpu.memory_space<hbm>>) target(%dma_start3A_635 : memref<8x768xf32, #tpu.memory_space<vmem_shared>>) target_semaphore(%arg11 : memref<!tpu.dma_semaphore, #tpu.memory_space<semaphore_mem>>)
        %mul3A_638 = arith.constant 768 : i32
        %mul3A_639 = arith.muli %select_n3A_28, %mul3A_638 : i32
        %add3A_640 = arith.constant 6144 : i32
        %add3A_641 = arith.addi %add3A_640, %mul3A_639 : i32
        %mul3A_642 = arith.constant 768 : i32
        %mul3A_643 = arith.muli %select_n3A_28, %mul3A_642 : i32
        %dma_start3A_644 = arith.constant 1 : i32
        %dma_start3A_645 = arith.constant 0 : i32
        %dma_start3A_646 = tpu.memref_slice %arg6[%select_n3A, %dma_start3A_644, %dma_start3A_645, %mul3A_643] : memref<2x3x8x6144xf32, #tpu.memory_space<vmem_shared>> -> memref<1x1x8x768xf32, #tpu.memory_space<vmem_shared>>
        %dma_start3A_647 = tpu.memref_squeeze %dma_start3A_646 : memref<1x1x8x768xf32, #tpu.memory_space<vmem_shared>> -> memref<8x768xf32, #tpu.memory_space<vmem_shared>>
        %dma_start3A_648 = tpu.memref_slice %arg3[%select_n3A_606, %multiple_of3A_625, %add3A_641] : memref<26x32x100001xf32, #tpu.memory_space<hbm>> -> memref<1x8x768xf32, #tpu.memory_space<hbm>>
        %dma_start3A_649 = tpu.memref_squeeze %dma_start3A_648 : memref<1x8x768xf32, #tpu.memory_space<hbm>> -> memref<8x768xf32, #tpu.memory_space<hbm>>
        tpu.enqueue_dma source(%dma_start3A_649 : memref<8x768xf32, #tpu.memory_space<hbm>>) target(%dma_start3A_647 : memref<8x768xf32, #tpu.memory_space<vmem_shared>>) target_semaphore(%arg11 : memref<!tpu.dma_semaphore, #tpu.memory_space<semaphore_mem>>)
      } else {
      }
      %scan3A_568 = arith.constant 0 : i32
      %scan3A_569 = arith.constant 0 : i32
      %scan3A_570 = arith.constant 32 : i32
      %scan3A_571 = arith.addi %scan3A_569, %scan3A_570 : i32
      %scan3A_572 = arith.constant 1 : i32
      scf.for %scan3A_581 = %scan3A_569 to %scan3A_571 step %scan3A_572  : i32 {
        %get3A = arith.index_cast %scan3A_581 : i32 to index
        %get3A_582 = arith.constant 0 : index
        %get3A_583 = tpu.vector_load %arg8[%get3A, %get3A_582] {strides = array<i32>} : memref<32x128xi32, #tpu.memory_space<vmem>>, vector<16xi32>,
        %gather3A = tpu.vector_load_idx %arg9[%get3A_583] : memref<100096xf32, #tpu.memory_space<vmem>>[vector<16xi32>], vector<16xf32>,
        %mul3A_584 = arith.constant 128 : i32
        %mul3A_585 = arith.muli %scan3A_581, %mul3A_584 : i32
        %add3A_586 = arith.constant 0 : i32
        %add3A_587 = arith.addi %mul3A_585, %add3A_586 : i32
        %swap3A = arith.index_cast %add3A_587 : i32 to index
        %swap3A_588 = tpu.vector_load %arg10[%swap3A] {strides = array<i32>} : memref<4096xf32, #tpu.memory_space<vmem>>, vector<16xf32>,
        tpu.vector_store %arg10[%swap3A], %gather3A {strides = array<i32>} : memref<4096xf32, #tpu.memory_space<vmem>>, vector<16xf32>,
        %get3A_589 = arith.index_cast %scan3A_581 : i32 to index
        %get3A_590 = arith.constant 16 : index
        %get3A_591 = tpu.vector_load %arg8[%get3A_589, %get3A_590] {strides = array<i32>} : memref<32x128xi32, #tpu.memory_space<vmem>>, vector<16xi32>,
        %gather3A_592 = tpu.vector_load_idx %arg9[%get3A_591] : memref<100096xf32, #tpu.memory_space<vmem>>[vector<16xi32>], vector<16xf32>,
        %mul3A_593 = arith.constant 128 : i32
        %mul3A_594 = arith.muli %scan3A_581, %mul3A_593 : i32
        %add3A_595 = arith.constant 16 : i32
        %add3A_596 = arith.addi %mul3A_594, %add3A_595 : i32
        %swap3A_597 = arith.index_cast %add3A_596 : i32 to index
        %swap3A_598 = tpu.vector_load %arg10[%swap3A_597] {strides = array<i32>} : memref<4096xf32, #tpu.memory_space<vmem>>, vector<16xf32>,
        tpu.vector_store %arg10[%swap3A_597], %gather3A_592 {strides = array<i32>} : memref<4096xf32, #tpu.memory_space<vmem>>, vector<16xf32>,
        %get3A_599 = arith.index_cast %scan3A_581 : i32 to index
        %get3A_600 = arith.constant 32 : index
        %get3A_601 = tpu.vector_load %arg8[%get3A_599, %get3A_600] {strides = array<i32>} : memref<32x128xi32, #tpu.memory_space<vmem>>, vector<16xi32>,
        %gather3A_602 = tpu.vector_load_idx %arg9[%get3A_601] : memref<100096xf32, #tpu.memory_space<vmem>>[vector<16xi32>], vector<16xf32>,
        %mul3A_603 = arith.constant 128 : i32
        %mul3A_604 = arith.muli %scan3A_581, %mul3A_603 : i32
        %add3A_605 = arith.constant 32 : i32
        %add3A_606 = arith.addi %mul3A_604, %add3A_605 : i32
        %swap3A_607 = arith.index_cast %add3A_606 : i32 to index
        %swap3A_608 = tpu.vector_load %arg10[%swap3A_607] {strides = array<i32>} : memref<4096xf32, #tpu.memory_space<vmem>>, vector<16xf32>,
        tpu.vector_store %arg10[%swap3A_607], %gather3A_602 {strides = array<i32>} : memref<4096xf32, #tpu.memory_space<vmem>>, vector<16xf32>,
        %get3A_609 = arith.index_cast %scan3A_581 : i32 to index
        %get3A_610 = arith.constant 48 : index
        %get3A_611 = tpu.vector_load %arg8[%get3A_609, %get3A_610] {strides = array<i32>} : memref<32x128xi32, #tpu.memory_space<vmem>>, vector<16xi32>,
        %gather3A_612 = tpu.vector_load_idx %arg9[%get3A_611] : memref<100096xf32, #tpu.memory_space<vmem>>[vector<16xi32>], vector<16xf32>,
        %mul3A_613 = arith.constant 128 : i32
        %mul3A_614 = arith.muli %scan3A_581, %mul3A_613 : i32
        %add3A_615 = arith.constant 48 : i32
        %add3A_616 = arith.addi %mul3A_614, %add3A_615 : i32
        %swap3A_617 = arith.index_cast %add3A_616 : i32 to index
        %swap3A_618 = tpu.vector_load %arg10[%swap3A_617] {strides = array<i32>} : memref<4096xf32, #tpu.memory_space<vmem>>, vector<16xf32>,
        tpu.vector_store %arg10[%swap3A_617], %gather3A_612 {strides = array<i32>} : memref<4096xf32, #tpu.memory_space<vmem>>, vector<16xf32>,
        %get3A_619 = arith.index_cast %scan3A_581 : i32 to index
        %get3A_620 = arith.constant 64 : index
        %get3A_621 = tpu.vector_load %arg8[%get3A_619, %get3A_620] {strides = array<i32>} : memref<32x128xi32, #tpu.memory_space<vmem>>, vector<16xi32>,
        %gather3A_622 = tpu.vector_load_idx %arg9[%get3A_621] : memref<100096xf32, #tpu.memory_space<vmem>>[vector<16xi32>], vector<16xf32>,
        %mul3A_623 = arith.constant 128 : i32
        %mul3A_624 = arith.muli %scan3A_581, %mul3A_623 : i32
        %add3A_625 = arith.constant 64 : i32
        %add3A_626 = arith.addi %mul3A_624, %add3A_625 : i32
        %swap3A_627 = arith.index_cast %add3A_626 : i32 to index
        %swap3A_628 = tpu.vector_load %arg10[%swap3A_627] {strides = array<i32>} : memref<4096xf32, #tpu.memory_space<vmem>>, vector<16xf32>,
        tpu.vector_store %arg10[%swap3A_627], %gather3A_622 {strides = array<i32>} : memref<4096xf32, #tpu.memory_space<vmem>>, vector<16xf32>,
        %get3A_629 = arith.index_cast %scan3A_581 : i32 to index
        %get3A_630 = arith.constant 80 : index
        %get3A_631 = tpu.vector_load %arg8[%get3A_629, %get3A_630] {strides = array<i32>} : memref<32x128xi32, #tpu.memory_space<vmem>>, vector<16xi32>,
        %gather3A_632 = tpu.vector_load_idx %arg9[%get3A_631] : memref<100096xf32, #tpu.memory_space<vmem>>[vector<16xi32>], vector<16xf32>,
        %mul3A_633 = arith.constant 128 : i32
        %mul3A_634 = arith.muli %scan3A_581, %mul3A_633 : i32
        %add3A_635 = arith.constant 80 : i32
        %add3A_636 = arith.addi %mul3A_634, %add3A_635 : i32
        %swap3A_637 = arith.index_cast %add3A_636 : i32 to index
        %swap3A_638 = tpu.vector_load %arg10[%swap3A_637] {strides = array<i32>} : memref<4096xf32, #tpu.memory_space<vmem>>, vector<16xf32>,
        tpu.vector_store %arg10[%swap3A_637], %gather3A_632 {strides = array<i32>} : memref<4096xf32, #tpu.memory_space<vmem>>, vector<16xf32>,
        %get3A_639 = arith.index_cast %scan3A_581 : i32 to index
        %get3A_640 = arith.constant 96 : index
        %get3A_641 = tpu.vector_load %arg8[%get3A_639, %get3A_640] {strides = array<i32>} : memref<32x128xi32, #tpu.memory_space<vmem>>, vector<16xi32>,
        %gather3A_642 = tpu.vector_load_idx %arg9[%get3A_641] : memref<100096xf32, #tpu.memory_space<vmem>>[vector<16xi32>], vector<16xf32>,
        %mul3A_643 = arith.constant 128 : i32
        %mul3A_644 = arith.muli %scan3A_581, %mul3A_643 : i32
        %add3A_645 = arith.constant 96 : i32
        %add3A_646 = arith.addi %mul3A_644, %add3A_645 : i32
        %swap3A_647 = arith.index_cast %add3A_646 : i32 to index
        %swap3A_648 = tpu.vector_load %arg10[%swap3A_647] {strides = array<i32>} : memref<4096xf32, #tpu.memory_space<vmem>>, vector<16xf32>,
        tpu.vector_store %arg10[%swap3A_647], %gather3A_642 {strides = array<i32>} : memref<4096xf32, #tpu.memory_space<vmem>>, vector<16xf32>,
        %get3A_649 = arith.index_cast %scan3A_581 : i32 to index
        %get3A_650 = arith.constant 112 : index
        %get3A_651 = tpu.vector_load %arg8[%get3A_649, %get3A_650] {strides = array<i32>} : memref<32x128xi32, #tpu.memory_space<vmem>>, vector<16xi32>,
        %gather3A_652 = tpu.vector_load_idx %arg9[%get3A_651] : memref<100096xf32, #tpu.memory_space<vmem>>[vector<16xi32>], vector<16xf32>,
        %mul3A_653 = arith.constant 128 : i32
        %mul3A_654 = arith.muli %scan3A_581, %mul3A_653 : i32
        %add3A_655 = arith.constant 112 : i32
        %add3A_656 = arith.addi %mul3A_654, %add3A_655 : i32
        %swap3A_657 = arith.index_cast %add3A_656 : i32 to index
        %swap3A_658 = tpu.vector_load %arg10[%swap3A_657] {strides = array<i32>} : memref<4096xf32, #tpu.memory_space<vmem>>, vector<16xf32>,
        tpu.vector_store %arg10[%swap3A_657], %gather3A_652 {strides = array<i32>} : memref<4096xf32, #tpu.memory_space<vmem>>, vector<16xf32>,
      }
      %scan3A_573 = arith.constant 32 : i32
      "tpu.region"() ({
        %run_scoped3A_581 = tpu.sem_alloc : memref<!tpu.dma_semaphore, #tpu.memory_space<semaphore_mem>>
        %dma_start3A_582 = arith.constant 0 : i32
        %dma_start3A_583 = tpu.memref_slice %arg7[%select_n3A, %select_n3A_28, %dma_start3A_582] : memref<2x8x4096xf32, #tpu.memory_space<vmem_shared>> -> memref<1x1x4096xf32, #tpu.memory_space<vmem_shared>>
        %dma_start3A_584 = tpu.memref_squeeze %dma_start3A_583 : memref<1x1x4096xf32, #tpu.memory_space<vmem_shared>> -> memref<4096xf32, #tpu.memory_space<vmem_shared>>
        %dma_start3A_585 = arith.constant 0 : i32
        %dma_start3A_586 = tpu.memref_slice %arg7[%select_n3A, %select_n3A_28, %dma_start3A_585] : memref<2x8x4096xf32, #tpu.memory_space<vmem_shared>> -> memref<1x1x4096xf32, #tpu.memory_space<vmem_shared>>
        %dma_start3A_587 = tpu.memref_squeeze %dma_start3A_586 : memref<1x1x4096xf32, #tpu.memory_space<vmem_shared>> -> memref<4096xf32, #tpu.memory_space<vmem_shared>>
        tpu.enqueue_dma source(%arg10 : memref<4096xf32, #tpu.memory_space<vmem>>) target(%dma_start3A_587 : memref<4096xf32, #tpu.memory_space<vmem_shared>>) target_semaphore(%run_scoped3A_581 : memref<!tpu.dma_semaphore, #tpu.memory_space<semaphore_mem>>)
        %dma_wait3A_588 = arith.constant 0 : i32
        %dma_wait3A_589 = tpu.memref_slice %arg7[%select_n3A, %select_n3A_28, %dma_wait3A_588] : memref<2x8x4096xf32, #tpu.memory_space<vmem_shared>> -> memref<1x1x4096xf32, #tpu.memory_space<vmem_shared>>
        %dma_wait3A_590 = tpu.memref_squeeze %dma_wait3A_589 : memref<1x1x4096xf32, #tpu.memory_space<vmem_shared>> -> memref<4096xf32, #tpu.memory_space<vmem_shared>>
        %dma_wait3A_591 = arith.constant 0 : i32
        %dma_wait3A_592 = tpu.memref_slice %arg7[%select_n3A, %select_n3A_28, %dma_wait3A_591] : memref<2x8x4096xf32, #tpu.memory_space<vmem_shared>> -> memref<1x1x4096xf32, #tpu.memory_space<vmem_shared>>
        %dma_wait3A_593 = tpu.memref_squeeze %dma_wait3A_592 : memref<1x1x4096xf32, #tpu.memory_space<vmem_shared>> -> memref<4096xf32, #tpu.memory_space<vmem_shared>>
        tpu.wait_dma2 semaphore(%run_scoped3A_581 : memref<!tpu.dma_semaphore, #tpu.memory_space<semaphore_mem>>) src(%arg10 : memref<4096xf32, #tpu.memory_space<vmem>>) dst(%dma_wait3A_593 : memref<4096xf32, #tpu.memory_space<vmem_shared>>)
        tpu.yield
      }) : () -> ()
      %barrier3A_574 = arith.constant 0 : index
      tpu.barrier barrier_id(%barrier3A_574)
      %eq3A_575 = arith.constant 0 : i32
      %eq3A_576 = arith.cmpi eq, %select_n3A_28, %eq3A_575 : i32
      %convert_element_type3A_577 = arith.extui %eq3A_576 : i1 to i32
      %cond3A_578 = arith.constant 0 : i32
      %cond3A_579 = arith.cmpi ne, %convert_element_type3A_577, %cond3A_578 : i32
      scf.if %cond3A_579 {
        "tpu.region"() ({
          %run_scoped3A_581 = tpu.sem_alloc : memref<!tpu.dma_semaphore, #tpu.memory_space<semaphore_mem>>
          %dma_start3A_582 = arith.constant 0 : i32
          %dma_start3A_583 = tpu.memref_slice %arg5[%select_n3A_131, %multiple_of3A_150, %dma_start3A_582] : memref<26x32x4096xf32, #tpu.memory_space<hbm>> -> memref<1x8x4096xf32, #tpu.memory_space<hbm>>
          %dma_start3A_584 = tpu.memref_squeeze %dma_start3A_583 : memref<1x8x4096xf32, #tpu.memory_space<hbm>> -> memref<8x4096xf32, #tpu.memory_space<hbm>>
          %dma_start3A_585 = arith.constant 0 : i32
          %dma_start3A_586 = arith.constant 0 : i32
          %dma_start3A_587 = tpu.memref_slice %arg7[%select_n3A, %dma_start3A_585, %dma_start3A_586] : memref<2x8x4096xf32, #tpu.memory_space<vmem_shared>> -> memref<1x8x4096xf32, #tpu.memory_space<vmem_shared>>
          %dma_start3A_588 = tpu.memref_squeeze %dma_start3A_587 : memref<1x8x4096xf32, #tpu.memory_space<vmem_shared>> -> memref<8x4096xf32, #tpu.memory_space<vmem_shared>>
          tpu.enqueue_dma source(%dma_start3A_588 : memref<8x4096xf32, #tpu.memory_space<vmem_shared>>) target(%dma_start3A_584 : memref<8x4096xf32, #tpu.memory_space<hbm>>) target_semaphore(%run_scoped3A_581 : memref<!tpu.dma_semaphore, #tpu.memory_space<semaphore_mem>>)
          %dma_wait3A_589 = arith.constant 0 : i32
          %dma_wait3A_590 = tpu.memref_slice %arg5[%select_n3A_131, %multiple_of3A_150, %dma_wait3A_589] : memref<26x32x4096xf32, #tpu.memory_space<hbm>> -> memref<1x8x4096xf32, #tpu.memory_space<hbm>>
          %dma_wait3A_591 = tpu.memref_squeeze %dma_wait3A_590 : memref<1x8x4096xf32, #tpu.memory_space<hbm>> -> memref<8x4096xf32, #tpu.memory_space<hbm>>
          %dma_wait3A_592 = arith.constant 0 : i32
          %dma_wait3A_593 = arith.constant 0 : i32
          %dma_wait3A_594 = tpu.memref_slice %arg7[%select_n3A, %dma_wait3A_592, %dma_wait3A_593] : memref<2x8x4096xf32, #tpu.memory_space<vmem_shared>> -> memref<1x8x4096xf32, #tpu.memory_space<vmem_shared>>
          %dma_wait3A_595 = tpu.memref_squeeze %dma_wait3A_594 : memref<1x8x4096xf32, #tpu.memory_space<vmem_shared>> -> memref<8x4096xf32, #tpu.memory_space<vmem_shared>>
          tpu.wait_dma2 semaphore(%run_scoped3A_581 : memref<!tpu.dma_semaphore, #tpu.memory_space<semaphore_mem>>) src(%dma_wait3A_595 : memref<8x4096xf32, #tpu.memory_space<vmem_shared>>) dst(%dma_wait3A_591 : memref<8x4096xf32, #tpu.memory_space<hbm>>)
          tpu.yield
        }) : () -> ()
      } else {
      }
      %barrier3A_580 = arith.constant 0 : index
      tpu.barrier barrier_id(%barrier3A_580)
    }
    %scan3A_100 = arith.constant 26 : i32
    return
  }
}

</mosaic_0001>

<sc_bundles>
// kernel: kernel.3.cloned.1.call-start
scs
__scs_entry_jumppad:
0x0: {  	(pc) =	sbr.rel $0x88, $3  }
0x1: {  	(tag) =	ssettag $0x0;
	lr =	simm.s32 $0x1  }
0x2: {  	[smem:$0x3F9F] =	sst lr;
	_ =	strace $0xD0000000  }
0x3: {  	_ = 	snop  }
0x4: {  	_ = 	snop  }
0x5: {  	_ = 	snop  }
0x6: {  	_ = 	snop  }
0x7: {  	_ = 	snop  }
__scs_overlays_trampoline_lowered:
0x8: {  	[smem:$0x3FAE] =	sst s0  }
0x9: {  	[smem:$0x3FAF] =	sst s1  }
0xa: {  	[smem:$0x3FB0] =	sst s2  }
0xb: {  	[smem:$0x3FB1] =	sst s3  }
0xc: {  	[smem:$0x3FB2] =	sst s4  }
0xd: {  	[smem:$0x3FB3] =	sst s5  }
0xe: {  	[smem:$0x3FB4] =	sst s6  }
0xf: {  	[smem:$0x3FB5] =	sst s7  }
0x10: {  	[smem:$0x3FB6] =	sst s8  }
0x11: {  	[smem:$0x3FB7] =	sst s9;
	s0 =	simm.s32 @!p0 $0x0  }
0x12: {  	s1 =	sld [smem:$0x3F9D];
	s0 =	simm.s32 @p0 $0x1  }
0x13: {  	[smem:$0x3FB8] =	sst s0;
	s0 =	simm.s32 @!p1 $0x0  }
0x14: {  	s2 =	sld [smem:$0x3F9C];
	s0 =	simm.s32 @p1 $0x1  }
0x15: {  	[smem:$0x3FB9] =	sst s0;
	s0 =	simm.s32 @!p2 $0x0  }
0x16: {  	s3 =	sld [smem:$0x3FDB];
	s0 =	simm.s32 @p2 $0x1  }
0x17: {  	s4 =	simm.s32 $0x1BF5;
	[smem:$0x3FBB] =	sst s0  }
0x18: {  	s0 =	sld [smem:$0x3F9E];
	_ =	swait.ge [sflag:s4], $0x0  }
0x19: {  	s7 =	sld [smem:$0x3F9F]  }
0x1a: {  	s8 =	sadd.s32 $0xFFFFE003, lr  }
0x1b: {  	s9 =	sadd.s32 $0xFFFFFEF7, lr;
	s5 =	simm.s32 $0xFFFFFFFF;
	p2 =	slt.u32 s8, $0xFFFFF086  }
0x1c: {  	p1 =	slt.u32 s9, $0xF7A;
	s5 =	simm.s32 @!p2 $0x0  }
0x1d: {  	s5 =	simm.s32 @p1 $0x1;
	p0 =	seq.s32 s7, s2  }
0x1e: {  	s7 =	smul.u32 @!p0 $0xF7A, s2;
	p2 =	seq.s32 @!p0 s5, $0x0  }
0x1f: {  	s9 =	smul.u32 $0xF7A, s1;
	s8 =	simm.s32 @!p0 $0x1BF5;
	p2 =	por !p2, p0  }
0x20: {  	[sflag:s8] =	ssyncset.s32 @!p0 $0xFFFFF086;
	s6 =	sadd.s32 @!p0 s3, s7;
	s7 =	simm.s32 @!p0 $0x108  }
0x21: {  	s3 =	sadd.s32 s3, s9;
	s6 =	sadd.s32 @!p0 $0x88, s6;
	s7 =	simm.s32 @p2 $0x1082  }
0x22: {  	[simem:s7], [sflag:s8] =	dma.local @!p0 [hbm:s6], $0xF7A  }
0x23: {  	s9 =	sor.u32 $0xD0000000, s2;
	s6 =	simm.s32 $0x108;
	_ =	swait.ge @!p0 [sflag:s8], $0x0  }
0x24: {  	s3 =	sadd.s32 $0x88, s3;
	s6 =	simm.s32 @!p1 $0x1082;
	[sflag:s4] =	ssyncset.s32 $0xFFFFF086  }
0x25: {  	[simem:s6], [sflag:s4] =	dma.local [hbm:s3], $0xF7A  }
0x26: {  	[smem:$0x3F9F] =	sst s1;
	(tag) =	ssettag s2;
	_ =	strace s9  }
0x27: {  	s1 =	sld [smem:$0x3FAF]  }
0x28: {  	s2 =	sld [smem:$0x3FB0]  }
0x29: {  	s4 =	sld [smem:$0x3FB2]  }
0x2a: {  	p0 =	seq.s32 s5, $0x0;
	s5 =	sld [smem:$0x3FB3]  }
0x2b: {  	s6 =	sld [smem:$0x3FB4]  }
0x2c: {  	s7 =	sld [smem:$0x3FB5]  }
0x2d: {  	s3 =	simm.s32 $0x108;
	s8 =	sld [smem:$0x3FB6]  }
0x2e: {  	s3 =	simm.s32 @!p0 $0x1082;
	s9 =	sld [smem:$0x3FB7]  }
0x2f: {  	lr =	sadd.s32 s0, s3;
	s0 =	sld [smem:$0x3FAE]  }
0x30: {  	s3 =	sld [smem:$0x3FB1]  }
0x31: {  	[smem:$0x3FBA] =	sst s10  }
0x32: {  	s10 =	sld [smem:$0x3FB8];
	_ =	sdelay $0x3  }
0x33: {  	p0 =	seq.s32 s10, $0x1;
	s10 =	sld [smem:$0x3FBA];
	_ =	sdelay $0x3  }
0x34: {  	[smem:$0x3FBA] =	sst s10  }
0x35: {  	s10 =	sld [smem:$0x3FB9];
	_ =	sdelay $0x3  }
0x36: {  	p1 =	seq.s32 s10, $0x1;
	s10 =	sld [smem:$0x3FBA];
	_ =	sdelay $0x3  }
0x37: {  	[smem:$0x3FBA] =	sst s10  }
0x38: {  	s10 =	sld [smem:$0x3FBB]  }
0x39: {  	_ = 	snop;
	(pc) =	sbr.ind lr, $3  }
0x3a: {  	_ = 	snop  }
0x3b: {  	_ = 	snop  }
0x3c: {  	p2 =	seq.s32 s10, $0x1;
	s10 =	sld [smem:$0x3FBA]  }
0x3d: {  	_ =	shalt  }
0x3e: {  	_ =	shalt  }
0x3f: {  	_ =	shalt  }
0x40: {  	_ =	shalt  }
0x41: {  	_ =	shalt  }
0x42: {  	_ =	shalt  }
0x43: {  	_ =	shalt  }
0x44: {  	_ =	shalt  }
0x45: {  	_ =	shalt  }
0x46: {  	_ =	shalt  }
0x47: {  	_ =	shalt  }
0x48: {  	_ =	shalt  }
0x49: {  	_ =	shalt  }
0x4a: {  	_ =	shalt  }
0x4b: {  	_ =	shalt  }
0x4c: {  	_ =	shalt  }
0x4d: {  	_ =	shalt  }
0x4e: {  	_ =	shalt  }
0x4f: {  	_ =	shalt  }
0x50: {  	_ =	shalt  }
0x51: {  	_ =	shalt  }
0x52: {  	_ =	shalt  }
0x53: {  	_ =	shalt  }
0x54: {  	_ =	shalt  }
0x55: {  	_ =	shalt  }
0x56: {  	_ =	shalt  }
0x57: {  	_ =	shalt  }
0x58: {  	_ =	shalt  }
0x59: {  	_ =	shalt  }
0x5a: {  	_ =	shalt  }
0x5b: {  	_ =	shalt  }
0x5c: {  	_ =	shalt  }
0x5d: {  	_ =	shalt  }
0x5e: {  	_ =	shalt  }
0x5f: {  	_ =	shalt  }
0x60: {  	_ =	shalt  }
0x61: {  	_ =	shalt  }
0x62: {  	_ =	shalt  }
0x63: {  	_ =	shalt  }
0x64: {  	_ =	shalt  }
0x65: {  	_ =	shalt  }
0x66: {  	_ =	shalt  }
0x67: {  	_ =	shalt  }
0x68: {  	_ =	shalt  }
0x69: {  	_ =	shalt  }
0x6a: {  	_ =	shalt  }
0x6b: {  	_ =	shalt  }
0x6c: {  	_ =	shalt  }
0x6d: {  	_ =	shalt  }
0x6e: {  	_ =	shalt  }
0x6f: {  	_ =	shalt  }
0x70: {  	_ =	shalt  }
0x71: {  	_ =	shalt  }
0x72: {  	_ =	shalt  }
0x73: {  	_ =	shalt  }
0x74: {  	_ =	shalt  }
0x75: {  	_ =	shalt  }
0x76: {  	_ =	shalt  }
0x77: {  	_ =	shalt  }
0x78: {  	_ =	shalt  }
0x79: {  	_ =	shalt  }
0x7a: {  	_ =	shalt  }
0x7b: {  	_ =	shalt  }
0x7c: {  	_ =	shalt  }
0x7d: {  	_ =	shalt  }
0x7e: {  	_ =	shalt  }
0x7f: {  	_ =	shalt  }
0x80: {  	_ =	shalt  }
0x81: {  	_ =	shalt  }
0x82: {  	_ =	shalt  }
0x83: {  	_ =	shalt  }
0x84: {  	_ =	shalt  }
0x85: {  	_ =	shalt  }
0x86: {  	_ =	shalt  }
0x87: {  	_ =	shalt  }
.Lfunc_end0:
.L_simem_size_0:
called_computation_lowered:
.L_overlay_start_0:
0x88: {  	s2 =	sld [smem:$0x3FD9]  }
0x89: {  	s3 =	sld [smem:$0x3FFE];
	_ =	sdelay $0x1  }
0x8a: {  	s1 =	srdreg.scid  }
0x8b: {  	s0 =	sand.u32 $0x1, s1  }
0x8c: {  	s13 =	sshll.u32 s0, $0xA;
	s2 =	sadd.s32 s3, s2  }
0x8d: {  	s2 =	sadd.s32 s2, s13  }
0x8e: {  	[smem:$0x3FC6] =	sst s2  }
0x8f: {  	_ = 	snop  }
0x90: {  	s2 =	sld [smem:$0x3FD0];
	_ =	sdelay $0x2  }
0x91: {  	s5 =	simm.s32 $0xA  }
0x92: {  	s6 =	simm.s32 $0x10;
	s14 =	sld [smem:$0x3FC8];
	s4 =	sadd.s32 $0x1, s2  }
0x93: {  	[smem:s6], [sflag:s5] =	dma.local [hbm:s4], $0x1  }
0x94: {  	_ =	swait.eq [sflag:s5], $0x1  }
0x95: {  	[sflag:s5] =	ssyncset.done $0x0  }
0x96: {  	[sflag:s5] =	ssyncadd.s32 $0xFFFFFFFF  }
0x97: {  	s15 =	sld [smem:$0x10]  }
0x98: {  	[smem:s6], [sflag:s5] =	dma.local [hbm:s2], $0x1  }
0x99: {  	_ =	swait.eq [sflag:s5], $0x1  }
0x9a: {  	[sflag:s5] =	ssyncset.done $0x0  }
0x9b: {  	[sflag:s5] =	ssyncadd.s32 $0xFFFFFFFF  }
0x9c: {  	s16 =	sld [smem:$0x17];
	(tm) =	ssettm $0x1  }
0x9d: {  	s17 =	sld [smem:$0x3FFB];
	_ =	sdelay $0x3  }
0x9e: {  	_ =	strace s17  }
0x9f: {  	s5 =	sld [smem:$0x3FFC];
	_ =	sdelay $0x3  }
0xa0: {  	_ =	strace s5  }
0xa1: {  	s5 =	sld [smem:$0x3FFD];
	_ =	sdelay $0x3  }
0xa2: {  	_ =	strace s5  }
0xa3: {  	_ =	strace $0x8FFFFFFF  }
0xa4: {  	s18 =	sld [smem:$0x3FDB];
	_ =	sdelay $0x1  }
0xa5: {  	s19 =	simm.s32 $_scs_section_size  }
0xa6: {  	s7 =	simm.s32 $_size__tile_overlayer_lowered;
	s8 =	simm.s32 $_tile_overlayer_lowered  }
0xa7: {  	s22 =	simm.s32 $0x1BFF;
	s21 =	sshll.u32 s8, $0x1;
	s5 =	sadd.s32 s19, s18  }
0xa8: {  	s9 =	simm.s32 $0x0;
	s20 =	sshll.u32 s7, $0x1;
	s7 =	sadd.s32 s21, s5  }
0xa9: {  	[timem:s9], [sflag:s22] =	dma.local [hbm:s7], s20  }
0xaa: {  	_ =	swait.ge [sflag:s22], s20  }
0xab: {  	s6 =	ssub.s32 $0x0, s20;
	[sflag:s22] =	ssyncset.done $0x0  }
0xac: {  	[sflag:s22] =	ssyncadd.s32 s6;
	_ =	sdelay $0x1  }
0xad: {  	s23 =	simm.s32 $0x1B8B  }
0xae: {  	_ =	swait.ge [sflag:s23], $0x1  }
0xaf: {  	[sflag:s23] =	ssyncset.done $0x0  }
0xb0: {  	s25 =	simm.s32 $0x1B8E;
	s24 =	sld [smem:$0x3FFE];
	[sflag:s23] =	ssyncadd.s32 $0xFFFFFFFF  }
0xb1: {  	s26 =	simm.s32 $execute0_lowered;
	[smem:$0x3FD2] =	sst s25  }
0xb2: {  	s7 =	sshll.u32 s26, $0x1;
	_ =	strace $0x80000046;
	[dreg:$0x1] =	wrdreg $0xFFFFFFFF  }
0xb3: {  	s28 =	simm.s32 $_size_execute0_lowered;
	s5 =	sadd.s32 s5, s7;
	[dreg:$0x0] =	wrdreg $0x0  }
0xb4: {  	s7 =	sshll.u32 s28, $0x1;
	[dreg:$0x2] =	wrdreg s5  }
0xb5: {  	[dreg:$0x3] =	wrdreg s7  }
0xb6: {  	[dreg:$0x4] =	wrdreg $0xC0  }
0xb7: {  	_ =	task [dreg:s9], $0x5FFFF  }
0xb8: {  	[dreg:$0x1] =	wrdreg $0xFFFFFFFF  }
0xb9: {  	[dreg:$0x0] =	wrdreg $0x60  }
0xba: {  	[dreg:$0x2] =	wrdreg s16  }
0xbb: {  	[dreg:$0x3] =	wrdreg s14  }
0xbc: {  	[dreg:$0x4] =	wrdreg s15  }
0xbd: {  	[dreg:$0x5] =	wrdreg s24  }
0xbe: {  	[dreg:$0x6] =	wrdreg $0x0  }
0xbf: {  	[dreg:$0x7] =	wrdreg $0x48000  }
0xc0: {  	[dreg:$0x8] =	wrdreg $0x9  }
0xc1: {  	_ =	task.clear_ibuf [dreg:s9], $0x9FFFF;
	_ =	strace $0x90000046  }
0xc2: {  	s29 =	simm.s32 $0x9;
	_ =	strace $0x80000048  }
0xc3: {  	_ =	swait.ge [sflag:s29], $0x1  }
0xc4: {  	[sflag:s29] =	ssyncadd.s32 $0xFFFFFFFF  }
0xc5: {  	_ =	strace $0x90000048  }
0xc6: {  	_ =	sfence  }
0xc7: {  	s30 =	sld [smem:$0x0];
	_ =	sdelay $0x2  }
0xc8: {  	s31 =	sshll.u32 s1, $0xD;
	s1 =	sshrl.u32 s1, $0x2  }
0xc9: {  	s3 =	sand.u32 $0x4000, s31;
	s1 =	sadd.s32 s1, s30  }
0xca: {  	s0 =	sor.u32 s3, s0;
	s1 =	sshll.u32 s1, $0x11  }
0xcb: {  	s0 =	sor.u32 s1, s0  }
0xcc: {  	s0 =	sadd.s32 $0x8F2B, s0  }
0xcd: {  	[sflag:s0] =	ssyncadd.remote.s32 $0x1  }
0xce: {  	_ =	sfence.sel $0xFFFF  }
0xcf: {  	[dreg:$0x0] =	wrdreg $0xFFFFFFFF;
	(pc) =	sbr.abs _section_cstart, $3  }
0xd0: {  	[dreg:$0x1] =	wrdreg $0xFFFFFFFF  }
0xd1: {  	_ =	task.clear_ibuf [dreg:s9], $0x2FFFF;
	_ =	strace $0x9FFFFFFF  }
0xd2: {  	(tm) =	ssettm $0x7FFFFFFF  }
0xd3: {  	_ =	shalt  }
tec
execute0_lowered:
.L_overlay_start_1:
0x0: {  	(tag) =	ssettag $0x1  }
0x1: {  	s2 =	rddreg [dreg:$0x1]  }
0x2: {  	s0 =	rddreg [dreg:$0x3]  }
0x3: {  	s1 =	rddreg [dreg:$0x4]  }
0x4: {  	s3 =	rddreg [dreg:$0x5];
	s11 =	stileid.u32;
	s5 =	simm.s32 $0x0  }
0x5: {  	s4 =	srdreg.scid;
	p2 =	por $0x0, $0x0;
	s12 =	sshrl.u32 s11, $0x3  }
0x6: {  	[smem:$0x7FF] =	sst s5;
	s4 =	sand.u32 $0x1, s4;
	s26 =	smul.u32 $0x90000, s12  }
0x7: {  	s9 =	sand.u32 $0x7, s11;
	s0 =	sadd.s32 $0x800, s0;
	s7 =	smul.u32 $0x27B6000, s4  }
0x8: {  	s15 =	sshll.u32 s11, $0x6;
	_ =	strace $0x80000047;
	s10 =	smul.u32 $0xC3800, s12  }
0x9: {  	s6 =	ssub.s32 $0x2, s4;
	[dreg:$0x8] =	wrdreg s0;
	s4 =	smul.u32 $0x34, s4  }
0xa: {  	s20 =	sshll.u32 s9, $0x7;
	[dreg:$0x7] =	wrdreg s12;
	s23 =	sshll.u32 s12, $0xF  }
0xb: {  	p0 =	seq.s32 s9, $0x1;
	p1 =	sne.s32 s9, $0x0;
	s8 =	sshrl.u32 s6, $0x1  }
0xc: {  	s3 =	sadd.s32 s23, s3;
	p4 =	sne.s32 @!p0 s9, $0x0;
	s29 =	ssub.s32 s6, s8  }
0xd: {  	s8 =	smul.u32 $0x1800, s9;
	[dreg:$0x9] =	wrdreg s4;
	s6 =	sshrl.u32 s26, $0x2  }
0xe: {  	s7 =	sadd.s32 s7, s10;
	[dreg:$0x11] =	wrdreg s3;
	s3 =	sadd.s32 s20, s3  }
0xf: {  	p3 =	por p4, p0;
	p4 =	por !p4, p0;
	s9 =	simm.s32 $0x80  }
0x10: {  	s1 =	sadd.s32 s6, s1;
	[dreg:$0x13] =	wrdreg s3;
	s0 =	smax.u32 s29, $0x1  }
0x11: {  	s6 =	simm.s32 $0x2;
	s10 =	sadd.s32 s8, s7;
	s13 =	sadd.s32 $0xC000, s8  }
0x12: {  	s14 =	sadd.s32 s8, s1;
	s19 =	sadd.s32 $0x18000, s8;
	[dreg:$0x14] =	wrdreg s0  }
0x13: {  	s22 =	sadd.s32 $0x24000, s8;
	s24 =	sadd.s32 $0xC000, s1;
	[dreg:$0xa] =	wrdreg s13  }
0x14: {  	s25 =	sor.u32 $0x30000, s8;
	s26 =	sadd.s32 $0x3C000, s8;
	[dreg:$0xb] =	wrdreg s14  }
0x15: {  	s29 =	sadd.s32 $0x48000, s8;
	s31 =	sadd.s32 $0x54000, s8;
	[dreg:$0xf] =	wrdreg s19  }
0x16: {  	s12 =	sadd.s32 $0x6C000, s8;
	s23 =	sadd.s32 $0x84000, s8;
	[dreg:$0x10] =	wrdreg s22  }
0x17: {  	s3 =	sadd.s32 $0x9C000, s8;
	s30 =	smov.u32 s8;
	[dreg:$0x12] =	wrdreg s24  }
0x18: {  	s4 =	sshrl.u32 s10, $0x3;
	s5 =	sadd.s32 s13, s7;
	[dreg:$0x16] =	wrdreg s25  }
0x19: {  	s13 =	sor.u32 $0x1C01, s15;
	s16 =	sadd.s32 $0xC000, s14;
	[dreg:$0x17] =	wrdreg s26  }
0x1a: {  	s18 =	sadd.s32 $0x18000, s14;
	s21 =	sadd.s32 s20, s24;
	[dreg:$0x18] =	wrdreg s29  }
0x1b: {  	s15 =	sadd.s32 $0x78000, s8;
	s7 =	simm.s32 $0x1;
	s10 =	simm.s32 $0x400  }
0x1c: {  	s14 =	simm.s32 $0x0;
	s4 =	sadd.s32 s2, s4;
	[dreg:$0xd] =	wrdreg s16  }
0x1d: {  	s5 =	sshrl.u32 s5, $0x3;
	s24 =	sshrl.u32 s18, $0x3;
	[dreg:$0xc] =	wrdreg s4  }
0x1e: {  	s17 =	sadd.s32 s2, s5;
	s4 =	sadd.s32 $0xA8000, s8;
	s5 =	sadd.s32 $0xB4000, s8  }
0x1f: {  	[dreg:$0xe] =	wrdreg s17;
	s17 =	sadd.s32 s20, s1;
	s1 =	sadd.s32 $0xF400, s1  }
0x20: {  	s0 =	sshrl.u32 @p0 s1, $0x3;
	s28 =	sadd.s32 $0x18000, s17;
	s1 =	sor.u32 $0x90000, s8  }
0x21: {  	[dreg:$0x15] =	wrdreg s0;
	s0 =	sor.u32 $0x60000, s8;
	s8 =	simm.s32 $0x6800  }
.LBB2_1:
0x22: {  	[dreg:$0x19] =	wrdreg s14  }
0x23: {  	s11 =	rddreg [dreg:$0xb]  }
0x24: {  	s26 =	rddreg [dreg:$0xc];
	s16 =	sshrl.u32 s11, $0x3  }
0x25: {  	[spmem:s16], [sflag:s13] =	dma.local [hbm:s26], $0x300  }
0x26: {  	s11 =	rddreg [dreg:$0xd]  }
0x27: {  	s20 =	simm.s32 $0x0;
	s29 =	rddreg [dreg:$0xe];
	s18 =	sshrl.u32 s11, $0x3  }
0x28: {  	[spmem:s18], [sflag:s13] =	dma.local [hbm:s29], $0x300  }
.LBB2_2:
0x29: {  	s11 =	sshll.u32 s20, $0x1;
	s14 =	rddreg [dreg:$0x9]  }
0x2a: {  	s11 =	sadd.s32 s14, s11  }
0x2b: {  	s22 =	rddreg [dreg:$0x7];
	s19 =	sshrl.u32 s11, $0x2  }
0x2c: {  	s25 =	rddreg [dreg:$0x0];
	s26 =	simm.s32 $0x5800;
	s14 =	sshll.u32 s19, $0x9  }
0x2d: {  	s22 =	sor.u32 s22, s11;
	s11 =	sadd.s32 s25, s14;
	s25 =	simm.s32 $0x0  }
0x2e: {  	[tilespmem:s26], [sflag:$0x2] =	stream.linear.gather [hbm4b:s11+s25], $0x1000, $0x38;
	[tilespmem:$0x1FF00] =	vst v63  }
0x2f: {  	_ =	swait.ge [sflag:s6], $0x1000  }
0x30: {  	s11 =	sand.u32 $0x3, s22;
	s26 =	smul.u32 $0x30E000, s19;
	[sflag:s6] =	ssyncset.done $0x0  }
0x31: {  	s29 =	smul.u32 $0xC3800, s11;
	[sflag:s6] =	ssyncadd.s32 $0xFFFFF000  }
0x32: {  	_ =	swait.ge [sflag:s7], $0x300  }
0x33: {  	s25 =	sadd.s32 s26, s29;
	s29 =	rddreg [dreg:$0xf]  }
0x34: {  	[sflag:s7] =	ssyncset.done $0x0;
	s26 =	sadd.s32 s25, s29  }
0x35: {  	[sflag:s7] =	ssyncadd.s32 $0xFFFFFD00;
	s26 =	sshrl.u32 s26, $0x3  }
0x36: {  	[bflag:$0x0] =	sbarrier.arrive $0xFFFF;
	s26 =	sadd.s32 s2, s26  }
0x37: {  	[spmem:s24], [sflag:s13] =	dma.local [hbm:s26], $0x300  }
0x38: {  	[tilespmem:s8], [sflag:$0x2] =	stream.strided.gather [spmem:s17], $0x1800, s10, s9, $0x38;
	[tilespmem:$0x1FF00] =	vst v63  }
0x39: {  	_ =	swait.ge [sflag:s6], $0x1800  }
0x3a: {  	[sflag:s6] =	ssyncset.done $0x0  }
0x3b: {  	[sflag:s6] =	ssyncadd.s32 $0xFFFFE800  }
0x3c: {  	_ =	swait.ge [sflag:s7], $0x300  }
0x3d: {  	s29 =	rddreg [dreg:$0x10]  }
0x3e: {  	[sflag:s7] =	ssyncset.done $0x0;
	s26 =	sadd.s32 s25, s29  }
0x3f: {  	[sflag:s7] =	ssyncadd.s32 $0xFFFFFD00;
	s26 =	sshrl.u32 s26, $0x3  }
0x40: {  	s29 =	simm.s32 $0x8000;
	[bflag:$0x0] =	sbarrier.arrive $0xFFFF;
	s26 =	sadd.s32 s2, s26  }
0x41: {  	[spmem:s16], [sflag:s13] =	dma.local [hbm:s26], $0x300  }
0x42: {  	[tilespmem:s29], [sflag:$0x2] =	stream.strided.gather [spmem:s21], $0x1800, s10, s9, $0x38;
	[tilespmem:$0x1FF00] =	vst v63  }
0x43: {  	_ =	swait.ge [sflag:s6], $0x1800  }
0x44: {  	[sflag:s6] =	ssyncset.done $0x0  }
0x45: {  	[sflag:s6] =	ssyncadd.s32 $0xFFFFE800  }
0x46: {  	_ =	swait.ge [sflag:s7], $0x300  }
0x47: {  	s29 =	rddreg [dreg:$0x16]  }
0x48: {  	[sflag:s7] =	ssyncset.done $0x0;
	s26 =	sadd.s32 s25, s29  }
0x49: {  	[sflag:s7] =	ssyncadd.s32 $0xFFFFFD00;
	s26 =	sshrl.u32 s26, $0x3  }
0x4a: {  	s29 =	simm.s32 $0x9800;
	[bflag:$0x0] =	sbarrier.arrive $0xFFFF;
	s26 =	sadd.s32 s2, s26  }
0x4b: {  	[spmem:s18], [sflag:s13] =	dma.local [hbm:s26], $0x300  }
0x4c: {  	[tilespmem:s29], [sflag:$0x2] =	stream.strided.gather [spmem:s28], $0x1800, s10, s9, $0x38;
	[tilespmem:$0x1FF00] =	vst v63  }
0x4d: {  	_ =	swait.ge [sflag:s6], $0x1800  }
0x4e: {  	[sflag:s6] =	ssyncset.done $0x0  }
0x4f: {  	[sflag:s6] =	ssyncadd.s32 $0xFFFFE800  }
0x50: {  	_ =	swait.ge [sflag:s7], $0x300  }
0x51: {  	s29 =	rddreg [dreg:$0x17]  }
0x52: {  	[sflag:s7] =	ssyncset.done $0x0;
	s26 =	sadd.s32 s25, s29  }
0x53: {  	[sflag:s7] =	ssyncadd.s32 $0xFFFFFD00;
	s26 =	sshrl.u32 s26, $0x3  }
0x54: {  	s29 =	simm.s32 $0xB000;
	[bflag:$0x0] =	sbarrier.arrive $0xFFFF;
	s26 =	sadd.s32 s2, s26  }
0x55: {  	[spmem:s24], [sflag:s13] =	dma.local [hbm:s26], $0x300  }
0x56: {  	[tilespmem:s29], [sflag:$0x2] =	stream.strided.gather [spmem:s17], $0x1800, s10, s9, $0x38;
	[tilespmem:$0x1FF00] =	vst v63  }
0x57: {  	_ =	swait.ge [sflag:s6], $0x1800  }
0x58: {  	[sflag:s6] =	ssyncset.done $0x0  }
0x59: {  	[sflag:s6] =	ssyncadd.s32 $0xFFFFE800  }
0x5a: {  	_ =	swait.ge [sflag:s7], $0x300  }
0x5b: {  	s29 =	rddreg [dreg:$0x18]  }
0x5c: {  	[sflag:s7] =	ssyncset.done $0x0;
	s26 =	sadd.s32 s25, s29  }
0x5d: {  	[sflag:s7] =	ssyncadd.s32 $0xFFFFFD00;
	s26 =	sshrl.u32 s26, $0x3  }
0x5e: {  	s29 =	simm.s32 $0xC800;
	[bflag:$0x0] =	sbarrier.arrive $0xFFFF;
	s26 =	sadd.s32 s2, s26  }
0x5f: {  	[spmem:s16], [sflag:s13] =	dma.local [hbm:s26], $0x300  }
0x60: {  	[tilespmem:s29], [sflag:$0x2] =	stream.strided.gather [spmem:s21], $0x1800, s10, s9, $0x38;
	[tilespmem:$0x1FF00] =	vst v63  }
0x61: {  	_ =	swait.ge [sflag:s6], $0x1800  }
0x62: {  	[sflag:s6] =	ssyncset.done $0x0  }
0x63: {  	[sflag:s6] =	ssyncadd.s32 $0xFFFFE800  }
0x64: {  	_ =	swait.ge [sflag:s7], $0x300  }
0x65: {  	s29 =	sadd.s32 s25, s31;
	[sflag:s7] =	ssyncset.done $0x0  }
0x66: {  	s26 =	sshrl.u32 s29, $0x3;
	[sflag:s7] =	ssyncadd.s32 $0xFFFFFD00  }
0x67: {  	s29 =	simm.s32 $0xE000;
	s26 =	sadd.s32 s2, s26;
	[bflag:$0x0] =	sbarrier.arrive $0xFFFF  }
0x68: {  	[spmem:s18], [sflag:s13] =	dma.local [hbm:s26], $0x300  }
0x69: {  	[tilespmem:s29], [sflag:$0x2] =	stream.strided.gather [spmem:s28], $0x1800, s10, s9, $0x38;
	[tilespmem:$0x1FF00] =	vst v63  }
0x6a: {  	_ =	swait.ge [sflag:s6], $0x1800  }
0x6b: {  	[sflag:s6] =	ssyncset.done $0x0  }
0x6c: {  	[sflag:s6] =	ssyncadd.s32 $0xFFFFE800  }
0x6d: {  	_ =	swait.ge [sflag:s7], $0x300  }
0x6e: {  	s29 =	sadd.s32 s25, s0;
	[sflag:s7] =	ssyncset.done $0x0  }
0x6f: {  	s26 =	sshrl.u32 s29, $0x3;
	[sflag:s7] =	ssyncadd.s32 $0xFFFFFD00  }
0x70: {  	s29 =	simm.s32 $0xF800;
	s26 =	sadd.s32 s2, s26;
	[bflag:$0x0] =	sbarrier.arrive $0xFFFF  }
0x71: {  	[spmem:s24], [sflag:s13] =	dma.local [hbm:s26], $0x300  }
0x72: {  	[tilespmem:s29], [sflag:$0x2] =	stream.strided.gather [spmem:s17], $0x1800, s10, s9, $0x38;
	[tilespmem:$0x1FF00] =	vst v63  }
0x73: {  	_ =	swait.ge [sflag:s6], $0x1800  }
0x74: {  	[sflag:s6] =	ssyncset.done $0x0  }
0x75: {  	[sflag:s6] =	ssyncadd.s32 $0xFFFFE800  }
0x76: {  	_ =	swait.ge [sflag:s7], $0x300  }
0x77: {  	s29 =	sadd.s32 s25, s12;
	[sflag:s7] =	ssyncset.done $0x0  }
0x78: {  	s26 =	sshrl.u32 s29, $0x3;
	[sflag:s7] =	ssyncadd.s32 $0xFFFFFD00  }
0x79: {  	s29 =	simm.s32 $0x11000;
	s26 =	sadd.s32 s2, s26;
	[bflag:$0x0] =	sbarrier.arrive $0xFFFF  }
0x7a: {  	[spmem:s16], [sflag:s13] =	dma.local [hbm:s26], $0x300  }
0x7b: {  	[tilespmem:s29], [sflag:$0x2] =	stream.strided.gather [spmem:s21], $0x1800, s10, s9, $0x38;
	[tilespmem:$0x1FF00] =	vst v63  }
0x7c: {  	_ =	swait.ge [sflag:s6], $0x1800  }
0x7d: {  	[sflag:s6] =	ssyncset.done $0x0  }
0x7e: {  	[sflag:s6] =	ssyncadd.s32 $0xFFFFE800  }
0x7f: {  	_ =	swait.ge [sflag:s7], $0x300  }
0x80: {  	s29 =	sadd.s32 s25, s15;
	[sflag:s7] =	ssyncset.done $0x0  }
0x81: {  	s26 =	sshrl.u32 s29, $0x3;
	[sflag:s7] =	ssyncadd.s32 $0xFFFFFD00  }
0x82: {  	s29 =	simm.s32 $0x12800;
	s26 =	sadd.s32 s2, s26;
	[bflag:$0x0] =	sbarrier.arrive $0xFFFF  }
0x83: {  	[spmem:s18], [sflag:s13] =	dma.local [hbm:s26], $0x300  }
0x84: {  	[tilespmem:s29], [sflag:$0x2] =	stream.strided.gather [spmem:s28], $0x1800, s10, s9, $0x38;
	[tilespmem:$0x1FF00] =	vst v63  }
0x85: {  	_ =	swait.ge [sflag:s6], $0x1800  }
0x86: {  	[sflag:s6] =	ssyncset.done $0x0  }
0x87: {  	[sflag:s6] =	ssyncadd.s32 $0xFFFFE800  }
0x88: {  	_ =	swait.ge [sflag:s7], $0x300  }
0x89: {  	s29 =	sadd.s32 s25, s23;
	[sflag:s7] =	ssyncset.done $0x0  }
0x8a: {  	s26 =	sshrl.u32 s29, $0x3;
	[sflag:s7] =	ssyncadd.s32 $0xFFFFFD00  }
0x8b: {  	s29 =	simm.s32 $0x14000;
	s26 =	sadd.s32 s2, s26;
	[bflag:$0x0] =	sbarrier.arrive $0xFFFF  }
0x8c: {  	[spmem:s24], [sflag:s13] =	dma.local [hbm:s26], $0x300  }
0x8d: {  	[tilespmem:s29], [sflag:$0x2] =	stream.strided.gather [spmem:s17], $0x1800, s10, s9, $0x38;
	[tilespmem:$0x1FF00] =	vst v63  }
0x8e: {  	_ =	swait.ge [sflag:s6], $0x1800  }
0x8f: {  	[sflag:s6] =	ssyncset.done $0x0  }
0x90: {  	[sflag:s6] =	ssyncadd.s32 $0xFFFFE800  }
0x91: {  	_ =	swait.ge [sflag:s7], $0x300  }
0x92: {  	s29 =	sadd.s32 s25, s1;
	[sflag:s7] =	ssyncset.done $0x0  }
0x93: {  	s26 =	sshrl.u32 s29, $0x3;
	[sflag:s7] =	ssyncadd.s32 $0xFFFFFD00  }
0x94: {  	s29 =	simm.s32 $0x15800;
	s26 =	sadd.s32 s2, s26;
	[bflag:$0x0] =	sbarrier.arrive $0xFFFF  }
0x95: {  	[spmem:s16], [sflag:s13] =	dma.local [hbm:s26], $0x300  }
0x96: {  	[tilespmem:s29], [sflag:$0x2] =	stream.strided.gather [spmem:s21], $0x1800, s10, s9, $0x38;
	[tilespmem:$0x1FF00] =	vst v63  }
0x97: {  	_ =	swait.ge [sflag:s6], $0x1800  }
0x98: {  	[sflag:s6] =	ssyncset.done $0x0  }
0x99: {  	[sflag:s6] =	ssyncadd.s32 $0xFFFFE800  }
0x9a: {  	_ =	swait.ge [sflag:s7], $0x300  }
0x9b: {  	s29 =	sadd.s32 s25, s3;
	[sflag:s7] =	ssyncset.done $0x0  }
0x9c: {  	s26 =	sshrl.u32 s29, $0x3;
	[sflag:s7] =	ssyncadd.s32 $0xFFFFFD00  }
0x9d: {  	s29 =	simm.s32 $0x17000;
	s26 =	sadd.s32 s2, s26;
	[bflag:$0x0] =	sbarrier.arrive $0xFFFF  }
0x9e: {  	[spmem:s18], [sflag:s13] =	dma.local [hbm:s26], $0x300  }
0x9f: {  	[tilespmem:s29], [sflag:$0x2] =	stream.strided.gather [spmem:s28], $0x1800, s10, s9, $0x38;
	[tilespmem:$0x1FF00] =	vst v63  }
0xa0: {  	_ =	swait.ge [sflag:s6], $0x1800  }
0xa1: {  	[sflag:s6] =	ssyncset.done $0x0  }
0xa2: {  	[sflag:s6] =	ssyncadd.s32 $0xFFFFE800  }
0xa3: {  	_ =	swait.ge [sflag:s7], $0x300  }
0xa4: {  	s29 =	sadd.s32 s25, s4;
	[sflag:s7] =	ssyncset.done $0x0  }
0xa5: {  	s26 =	sshrl.u32 s29, $0x3;
	[sflag:s7] =	ssyncadd.s32 $0xFFFFFD00  }
0xa6: {  	s29 =	simm.s32 $0x18800;
	s26 =	sadd.s32 s2, s26;
	[bflag:$0x0] =	sbarrier.arrive $0xFFFF  }
0xa7: {  	[spmem:s24], [sflag:s13] =	dma.local [hbm:s26], $0x300  }
0xa8: {  	[tilespmem:s29], [sflag:$0x2] =	stream.strided.gather [spmem:s17], $0x1800, s10, s9, $0x38;
	[tilespmem:$0x1FF00] =	vst v63  }
0xa9: {  	_ =	swait.ge [sflag:s6], $0x1800  }
0xaa: {  	[sflag:s6] =	ssyncset.done $0x0  }
0xab: {  	[sflag:s6] =	ssyncadd.s32 $0xFFFFE800  }
0xac: {  	_ =	swait.ge [sflag:s7], $0x300  }
0xad: {  	s29 =	sadd.s32 s25, s5;
	[sflag:s7] =	ssyncset.done $0x0  }
0xae: {  	s26 =	sshrl.u32 s29, $0x3;
	[sflag:s7] =	ssyncadd.s32 $0xFFFFFD00  }
0xaf: {  	s29 =	simm.s32 $0x1A000;
	s26 =	sadd.s32 s2, s26;
	[bflag:$0x0] =	sbarrier.arrive $0xFFFF  }
0xb0: {  	[spmem:s16], [sflag:s13] =	dma.local [hbm:s26], $0x300  }
0xb1: {  	[tilespmem:s29], [sflag:$0x2] =	stream.strided.gather [spmem:s21], $0x1800, s10, s9, $0x38;
	[tilespmem:$0x1FF00] =	vst v63  }
0xb2: {  	_ =	swait.ge [sflag:s6], $0x1800  }
0xb3: {  	[sflag:s6] =	ssyncset.done $0x0  }
0xb4: {  	[sflag:s6] =	ssyncadd.s32 $0xFFFFE800  }
0xb5: {  	_ =	swait.ge [sflag:s7], $0x300  }
0xb6: {  	[sflag:s7] =	ssyncset.done $0x0  }
0xb7: {  	[sflag:s7] =	ssyncadd.s32 $0xFFFFFD00  }
0xb8: {  	s29 =	rddreg [dreg:$0x2]  }
0xb9: {  	s26 =	sshll.u32 @p0 s11, $0x7;
	[bflag:$0x0] =	sbarrier.arrive $0xFFFF;
	s14 =	sadd.s32 @p0 s29, s14  }
0xba: {  	s14 =	sadd.s32 @p0 s26, s14;
	s26 =	rddreg [dreg:$0x15]  }
0xbb: {  	[spmem:s26], [sflag:s13] =	dma.local @p0 [hbm:s14], $0x80  }
0xbc: {  	s14 =	sshrl.u32 @!p3 s25, $0x3  }
0xbd: {  	s14 =	sadd.s32 @!p3 s2, s14;
	s25 =	rddreg [dreg:$0x12]  }
0xbe: {  	s14 =	sadd.s32 @!p3 $0x18000, s14;
	s25 =	sshrl.u32 @!p3 s25, $0x3  }
0xbf: {  	[spmem:s25], [sflag:s13] =	dma.local @!p3 [hbm:s14], $0x680  }
0xc0: {  	s25 =	simm.s32 $0x1B800  }
0xc1: {  	[tilespmem:s25], [sflag:$0x2] =	stream.strided.gather [spmem:s28], $0x1800, s10, s9, $0x38;
	[tilespmem:$0x1FF00] =	vst v63  }
0xc2: {  	_ =	swait.ge [sflag:s6], $0x1800  }
0xc3: {  	[sflag:s6] =	ssyncset.done $0x0  }
0xc4: {  	[sflag:s6] =	ssyncadd.s32 $0xFFFFE800  }
0xc5: {  	_ =	swait.ge [sflag:s7], $0x300  }
0xc6: {  	[sflag:s7] =	ssyncset.done $0x0  }
0xc7: {  	[sflag:s7] =	ssyncadd.s32 $0xFFFFFD00  }
0xc8: {  	s26 =	simm.s32 $0x1D000;
	[bflag:$0x0] =	sbarrier.arrive $0xFFFF  }
0xc9: {  	[tilespmem:s26], [sflag:$0x2] =	stream.strided.gather [spmem:s17], $0x1800, s10, s9, $0x38;
	[tilespmem:$0x1FF00] =	vst v63  }
0xca: {  	_ =	swait.ge [sflag:s6], $0x1800  }
0xcb: {  	[sflag:s6] =	ssyncset.done $0x0  }
0xcc: {  	p5 =	por @!p3 $0x0, $0x0;
	s14 =	simm.s32 @!p1 $0x1;
	[sflag:s6] =	ssyncadd.s32 $0xFFFFE800  }
0xcd: {  	p6 =	por @p0 $0x1, $0x1;
	p5 =	por @!p4 p2, p2;
	_ =	swait.ge @!p1 [sflag:s14], $0x680  }
0xce: {  	p6 =	por @!p0 p5, p5;
	[sflag:s14] =	ssyncset.done @!p1 $0x0  }
0xcf: {  	[sflag:s14] =	ssyncadd.s32 @!p1 $0xFFFFF980;
	s14 =	simm.s32 @p6 $0x1  }
0xd0: {  	p5 =	seq.s32 s20, $0x19;
	_ =	swait.ge @p6 [sflag:s14], $0x80  }
0xd1: {  	s22 =	sadd.s32 @!p5 $0x2, s22;
	[sflag:s14] =	ssyncset.done @p6 $0x0  }
0xd2: {  	s25 =	sshrl.u32 @!p5 s22, $0x2;
	s22 =	sand.u32 @!p5 $0x3, s22;
	[sflag:s14] =	ssyncadd.s32 @p6 $0xFFFFFF80  }
0xd3: {  	s29 =	simm.s32 $0x1E800;
	s22 =	smul.u32 @!p5 $0xC3800, s22;
	[bflag:$0x0] =	sbarrier.arrive $0xFFFF  }
0xd4: {  	[tilespmem:s29], [sflag:$0x2] =	stream.strided.gather [spmem:s21], $0x700, s10, s9, $0x38;
	[tilespmem:$0x1FF00] =	vst v63  }
0xd5: {  	s14 =	smul.u32 @!p5 $0x30E000, s25;
	_ =	swait.ge [sflag:s6], $0x700  }
0xd6: {  	[sflag:s6] =	ssyncset.done $0x0  }
0xd7: {  	s14 =	sadd.s32 @!p5 s22, s14;
	[sflag:s6] =	ssyncadd.s32 $0xFFFFF900  }
0xd8: {  	s22 =	sadd.s32 @!p5 s30, s14;
	[bflag:$0x0] =	sbarrier.arrive $0xFFFF  }
0xd9: {  	s22 =	sshrl.u32 @!p5 s22, $0x3;
	s25 =	rddreg [dreg:$0xb]  }
0xda: {  	s22 =	sadd.s32 @!p5 s2, s22;
	s25 =	sshrl.u32 @!p5 s25, $0x3  }
0xdb: {  	[spmem:s25], [sflag:s13] =	dma.local @!p5 [hbm:s22], $0x300  }
0xdc: {  	s22 =	rddreg [dreg:$0xa]  }
0xdd: {  	s14 =	sadd.s32 @!p5 s22, s14  }
0xde: {  	s22 =	rddreg [dreg:$0xd];
	s14 =	sshrl.u32 @!p5 s14, $0x3  }
0xdf: {  	s22 =	sshrl.u32 @!p5 s22, $0x3;
	s14 =	sadd.s32 @!p5 s2, s14  }
0xe0: {  	[spmem:s22], [sflag:s13] =	dma.local @!p5 [hbm:s14], $0x300  }
0xe1: {  	s14 =	simm.s32 $0x0  }
0xe2: {  	v0 =	vld [tilespmem:s14+$0x5800];
	_ =	sdelay $0x5  }
0xe3: {  	v1 =	vld [tilespmem:s14+$0x5810];
	_ =	sdelay $0x1  }
0xe4: {  	v0 =	vld.idx.msk [tilespmem:v0+s8+$0x0], $0xffff;
	_ =	sdelay $0x4  }
0xe5: {  	[tilespmem:s14+$0x1EF00] =	vst v0;
	v0 =	vld [tilespmem:s14+$0x5820]  }
0xe6: {  	v1 =	vld.idx.msk [tilespmem:v1+s8+$0x0], $0xffff;
	_ =	sdelay $0x4  }
0xe7: {  	[tilespmem:s14+$0x1EF10] =	vst v1;
	v1 =	vld [tilespmem:s14+$0x5830];
	_ =	sdelay $0x1  }
0xe8: {  	v0 =	vld.idx.msk [tilespmem:v0+s8+$0x0], $0xffff;
	_ =	sdelay $0x4  }
0xe9: {  	[tilespmem:s14+$0x1EF20] =	vst v0;
	v0 =	vld [tilespmem:s14+$0x5840]  }
0xea: {  	v1 =	vld.idx.msk [tilespmem:v1+s8+$0x0], $0xffff;
	_ =	sdelay $0x4  }
0xeb: {  	[tilespmem:s14+$0x1EF30] =	vst v1;
	v1 =	vld [tilespmem:s14+$0x5850];
	_ =	sdelay $0x1  }
0xec: {  	v0 =	vld.idx.msk [tilespmem:v0+s8+$0x0], $0xffff;
	_ =	sdelay $0x4  }
0xed: {  	v2 =	vld [tilespmem:s14+$0x5860];
	[tilespmem:s14+$0x1EF40] =	vst v0  }
0xee: {  	v0 =	vld.idx.msk [tilespmem:v1+s8+$0x0], $0xffff;
	_ =	sdelay $0x4  }
0xef: {  	[tilespmem:s14+$0x1EF50] =	vst v0;
	v0 =	vld [tilespmem:s14+$0x5870];
	_ =	sdelay $0x1  }
0xf0: {  	v1 =	vld.idx.msk [tilespmem:v2+s8+$0x0], $0xffff;
	_ =	sdelay $0x3  }
0xf1: {  	s20 =	sadd.s32 $0x1, s20;
	s25 =	simm.s32 $0x80;
	s22 =	simm.s32 $0x400  }
.LBB2_3:
0xf2: {  	p5 =	sne.s32 s22, $0x3E00;
	v2 =	vld [tilespmem:s25+$0x5800];
	[tilespmem:s14+$0x1EF60] =	vst v1  }
0xf3: {  	v0 =	vld.idx.msk [tilespmem:v0+s8+$0x0], $0xffff;
	_ =	sdelay $0x5  }
0xf4: {  	v1 =	vld [tilespmem:s25+$0x5810];
	[tilespmem:s14+$0x1EF70] =	vst v0;
	s14 =	smov.u32 s25  }
0xf5: {  	v0 =	vld.idx.msk [tilespmem:v2+s8+$0x0], $0xffff;
	_ =	sdelay $0x5  }
0xf6: {  	[tilespmem:s14+$0x1EF00] =	vst v0;
	v0 =	vld [tilespmem:s14+$0x5820]  }
0xf7: {  	v1 =	vld.idx.msk [tilespmem:v1+s8+$0x0], $0xffff;
	_ =	sdelay $0x5  }
0xf8: {  	[tilespmem:s14+$0x1EF10] =	vst v1;
	v1 =	vld [tilespmem:s14+$0x5830]  }
0xf9: {  	v0 =	vld.idx.msk [tilespmem:v0+s8+$0x0], $0xffff;
	_ =	sdelay $0x5  }
0xfa: {  	[tilespmem:s14+$0x1EF20] =	vst v0;
	v0 =	vld [tilespmem:s14+$0x5840]  }
0xfb: {  	v1 =	vld.idx.msk [tilespmem:v1+s8+$0x0], $0xffff;
	_ =	sdelay $0x5  }
0xfc: {  	[tilespmem:s14+$0x1EF30] =	vst v1;
	v1 =	vld [tilespmem:s14+$0x5850]  }
0xfd: {  	v0 =	vld.idx.msk [tilespmem:v0+s8+$0x0], $0xffff;
	_ =	sdelay $0x5  }
0xfe: {  	[tilespmem:s14+$0x1EF40] =	vst v0;
	v2 =	vld [tilespmem:s14+$0x5860]  }
0xff: {  	v0 =	vld.idx.msk [tilespmem:v1+s8+$0x0], $0xffff;
	_ =	sdelay $0x5  }
0x100: {  	[tilespmem:s14+$0x1EF50] =	vst v0;
	v0 =	vld [tilespmem:s14+$0x5870]  }
0x101: {  	v1 =	vld.idx.msk [tilespmem:v2+s8+$0x0], $0xffff  }
.Ltmp0:
0x102: {  	(pc) =	sbr.rel @p5 .LBB2_3-.Ltmp0, $2  }
0x103: {  	_ =	sdelay $0x2  }
0x104: {  	s25 =	sshra.s32 s22, $0x2;
	s22 =	sadd.s32 $0x200, s22  }
0x105: {  	_ =	sdelay $0x1  }
0x106: {  	v2 =	vld [tilespmem:s25+$0x5800]  }
0x107: {  	[tilespmem:s14+$0x1EF60] =	vst v1  }
0x108: {  	v0 =	vld.idx.msk [tilespmem:v0+s8+$0x0], $0xffff;
	_ =	sdelay $0x3  }
0x109: {  	v1 =	vld [tilespmem:s25+$0x5810]  }
0x10a: {  	[tilespmem:s14+$0x1EF70] =	vst v0  }
0x10b: {  	v0 =	vld.idx.msk [tilespmem:v2+s8+$0x0], $0xffff;
	_ =	sdelay $0x3  }
0x10c: {  	v58 =	vld [tilespmem:s25+$0x5820]  }
0x10d: {  	[tilespmem:s25+$0x1EF00] =	vst v0  }
0x10e: {  	v1 =	vld.idx.msk [tilespmem:v1+s8+$0x0], $0xffff;
	_ =	sdelay $0x3  }
0x10f: {  	v59 =	vld [tilespmem:s25+$0x5830]  }
0x110: {  	[tilespmem:s25+$0x1EF10] =	vst v1  }
0x111: {  	v0 =	vld.idx.msk [tilespmem:v58+s8+$0x0], $0xffff;
	_ =	sdelay $0x3  }
0x112: {  	v60 =	vld [tilespmem:s25+$0x5840]  }
0x113: {  	[tilespmem:s25+$0x1EF20] =	vst v0  }
0x114: {  	v1 =	vld.idx.msk [tilespmem:v59+s8+$0x0], $0xffff;
	_ =	sdelay $0x3  }
0x115: {  	v61 =	vld [tilespmem:s25+$0x5850]  }
0x116: {  	[tilespmem:s25+$0x1EF30] =	vst v1  }
0x117: {  	v0 =	vld.idx.msk [tilespmem:v60+s8+$0x0], $0xffff;
	_ =	sdelay $0x3  }
0x118: {  	v62 =	vld [tilespmem:s25+$0x5860]  }
0x119: {  	[tilespmem:s25+$0x1EF40] =	vst v0  }
0x11a: {  	v1 =	vld.idx.msk [tilespmem:v61+s8+$0x0], $0xffff;
	_ =	sdelay $0x3  }
0x11b: {  	v63 =	vld [tilespmem:s25+$0x5870]  }
0x11c: {  	[tilespmem:s25+$0x1EF50] =	vst v1  }
0x11d: {  	v0 =	vld.idx.msk [tilespmem:v62+s8+$0x0], $0xffff;
	_ =	sdelay $0x4  }
0x11e: {  	[tilespmem:s25+$0x1EF60] =	vst v0  }
0x11f: {  	v0 =	vld.idx.msk [tilespmem:v63+s8+$0x0], $0xffff;
	_ =	sdelay $0x4  }
0x120: {  	s29 =	rddreg [dreg:$0x13];
	s22 =	simm.s32 $0x1EF00;
	[tilespmem:s25+$0x1EF70] =	vst v0  }
0x121: {  	[spmem:s29] =	stream.strided.scatter [tilespmem:s22], [sflag:$0x2], $0x1000, s10, s9, $0x38;
	[tilespmem:$0x1FF00] =	vst v63  }
0x122: {  	_ =	swait.ge [sflag:s6], $0x1000  }
0x123: {  	[sflag:s6] =	ssyncset.done $0x0  }
0x124: {  	[sflag:s6] =	ssyncadd.s32 $0xFFFFF000  }
0x125: {  	[bflag:$0x0] =	sbarrier.arrive $0xFFFF  }
0x126: {  	s14 =	sshll.u32 @!p1 s19, $0xE;
	s19 =	rddreg [dreg:$0x8]  }
0x127: {  	s14 =	sadd.s32 @!p1 s19, s14;
	s19 =	stileid.u32  }
0x128: {  	s11 =	sshll.u32 @!p1 s11, $0xC;
	s19 =	sshll.u32 @!p1 s19, $0x6  }
0x129: {  	s11 =	sadd.s32 @!p1 s11, s14;
	s14 =	sor.u32 @!p1 $0x1C02, s19;
	s19 =	rddreg [dreg:$0x11]  }
0x12a: {  	s19 =	sshrl.u32 @!p1 s19, $0x3  }
0x12b: {  	[hbm:s11], [sflag:s14] =	dma.local @!p1 [spmem:s19], $0x1000  }
0x12c: {  	p5 =	sne.s32 s20, $0x1A;
	s11 =	simm.s32 @!p1 $0x2  }
.Ltmp1:
0x12d: {  	_ =	swait.ge @!p1 [sflag:s11], $0x1000;
	(pc) =	sbr.rel @p5 .LBB2_2-.Ltmp1, $3  }
0x12e: {  	[sflag:s11] =	ssyncset.done @!p1 $0x0  }
0x12f: {  	[sflag:s11] =	ssyncadd.s32 @!p1 $0xFFFFF000  }
0x130: {  	[bflag:$0x0] =	sbarrier.arrive $0xFFFF;
	_ =	sdelay $0x1  }
0x131: {  	s14 =	rddreg [dreg:$0x19]  }
0x132: {  	s11 =	rddreg [dreg:$0x14];
	s14 =	sadd.s32 $0x1, s14  }
0x133: {  	p5 =	sne.s32 s14, s11  }
.Ltmp2:
0x134: {  	_ = 	snop;
	(pc) =	sbr.rel @p5 .LBB2_1-.Ltmp2, $1  }
0x135: {  	_ =	sdelay $0x3  }
0x136: {  	_ =	sfence.sel $0x180000  }
0x137: {  	[bflag:$0x0] =	sbarrier.arrive $0xFFFF  }
0x138: {  	_ =	strace $0x90000047  }
0x139: {  	s0 =	stileid.u32;
	[bflag:$0x2] =	sbarrier.arrive $0xFFFF  }
0x13a: {  	p0 =	sne.s32 s0, $0x0;
	s0 =	rddreg [dreg:$0x6]  }
0x13b: {  	s0 =	sadd.s32 @!p0 $0x100000, s0  }
0x13c: {  	[sflag:s0] =	ssyncadd.tile.s32 @!p0 $0x1;
	_ =	shalt  }
.Lfunc_end2:
_tile_overlayer_lowered:
.L_overlay_start_2:
0x13d: {  	(tag) =	ssettag $0x2  }
0x13e: {  	s0 =	rddreg [dreg:$0x0];
	s2 =	stileid.u32  }
0x13f: {  	s1 =	rddreg [dreg:$0x1];
	p0 =	sne.s32 s2, $0x0  }
0x140: {  	s3 =	rddreg [dreg:$0x2];
	[bflag:$0x3] =	sbarrier.arrive $0xFFFF;
	s2 =	simm.s32 @!p0 $0x1C02  }
0x141: {  	[timem:s3], [sflag:s2] =	dma.local @!p0 [hbm:s0], s1  }
0x142: {  	s0 =	simm.s32 @!p0 $0x2  }
0x143: {  	_ =	swait.ge @!p0 [sflag:s0], s1  }
0x144: {  	s1 =	ssub.s32 @!p0 $0x0, s1;
	[sflag:s0] =	ssyncset.done @!p0 $0x0  }
0x145: {  	[sflag:s0] =	ssyncadd.s32 @!p0 s1  }
0x146: {  	[bflag:$0x3] =	sbarrier.arrive $0xFFFF  }
0x147: {  	_ =	shalt  }

</sc_bundles>
